<compile_context>
chip_gen: v7x
topology: tpu7x:2x2x1
jax: 0.10.2.dev20260603
libtpu: 0.0.44.dev20260713+nightly
codegen_flags: <defaults>
</compile_context>

<pallas_src>
import jax
import jax.numpy as jnp
from jax import lax
from jax.experimental import pallas as pl
from jax.experimental.pallas import tpu as pltpu
from jax.experimental.pallas import tpu_sc as plsc

N = 10000
E = 320000
D = 128
H = 128
C = 2
G = 64

NC = 2
NS = 16
NW = NC * NS
CHUNK = 128
CHUNKS_PER_W = 80
EP = NW * CHUNKS_PER_W * CHUNK
RP = 10240
ROWS_PER_S = RP // NS

TC_BLK = 1024
TC_GRID = RP // TC_BLK

CNT_BLK = 8000
CNT_GRID = E // CNT_BLK
CNT_HI = RP // 128


NBUF = 2


def _sc_body(x_hbm, src_hbm, dst_hbm, z128,
             agg_out, src_v, dst_v, rows_a, rows_b,
             agg_sp, sem_a, sem_b):
    rows = (rows_a, rows_b)
    sems = (sem_a, sem_b)
    c = lax.axis_index("c")
    s = lax.axis_index("s")
    wid = s * NC + c
    base_r = s * ROWS_PER_S

    def zbody(k, carry):
        pltpu.sync_copy(z128, agg_sp.at[pl.ds(base_r + k * 128, 128)])
        return carry

    lax.fori_loop(0, ROWS_PER_S // 128, zbody, 0)
    plsc.subcore_barrier()

    HALF = CHUNKS_PER_W // 2
    for ph in range(2):
        poff = wid * CHUNKS_PER_W + ph * HALF
        pltpu.sync_copy(src_hbm.at[pl.ds(poff, HALF)], src_v)
        pltpu.sync_copy(dst_hbm.at[pl.ds(poff, HALF)], dst_v)
        for b in range(NBUF):
            pltpu.async_copy(x_hbm.at[src_v.at[b]], rows[b], sems[b])

        def pair(j, carry):
            for b in range(NBUF):
                i = j * NBUF + b
                pltpu.make_async_copy(x_hbm.at[src_v.at[i]], rows[b],
                                      sems[b]).wait()
                pltpu.sync_copy(rows[b], agg_sp.at[dst_v.at[i]], add=True)
                nxt = i + NBUF

                @pl.when(nxt < HALF)
                def _():
                    pltpu.async_copy(x_hbm.at[src_v.at[nxt]], rows[b], sems[b])
            return carry

        lax.fori_loop(0, HALF // NBUF, pair, 0)
    plsc.subcore_barrier()

    pltpu.sync_copy(agg_sp.at[pl.ds(base_r, ROWS_PER_S)],
                    agg_out.at[c, pl.ds(base_r, ROWS_PER_S)])


def _sc_aggregate(x, src_p, dst_p):
    mesh = plsc.VectorSubcoreMesh(core_axis_name="c", subcore_axis_name="s")
    z128 = jnp.zeros((128, D), jnp.float32)
    fn = pl.kernel(
        _sc_body,
        out_type=[jax.ShapeDtypeStruct((NC, RP, D), jnp.float32)],
        mesh=mesh,
        scratch_types=[
            pltpu.VMEM((CHUNKS_PER_W // 2, CHUNK), jnp.int32),
            pltpu.VMEM((CHUNKS_PER_W // 2, CHUNK), jnp.int32),
            pltpu.VMEM((CHUNK, D), jnp.float32),
            pltpu.VMEM((CHUNK, D), jnp.float32),
            pltpu.VMEM_SHARED((RP, D), jnp.float32),
            pltpu.SemaphoreType.DMA,
            pltpu.SemaphoreType.DMA,
        ],
    )
    return fn(x, src_p.reshape(EP // CHUNK, CHUNK),
              dst_p.reshape(EP // CHUNK, CHUNK), z128)[0]


def _cnt_body(dst_ref, out_ref, acc):
    i = pl.program_id(0)

    @pl.when(i == 0)
    def _():
        acc[...] = jnp.zeros_like(acc)

    d = dst_ref[...]
    hi = lax.shift_right_logical(d, 7)
    lo = jnp.bitwise_and(d, 127)
    a = (hi == lax.broadcasted_iota(jnp.int32, (CNT_BLK, CNT_HI), 1))
    b = (lo == lax.broadcasted_iota(jnp.int32, (CNT_BLK, 128), 1))
    acc[...] += lax.dot_general(
        a.astype(jnp.bfloat16), b.astype(jnp.bfloat16),
        (((0,), (0,)), ((), ())),
        preferred_element_type=jnp.float32)

    @pl.when(i == CNT_GRID - 1)
    def _():
        out_ref[...] = acc[...]


def _tc_count(dst2d):
    return pl.pallas_call(
        _cnt_body,
        grid=(CNT_GRID,),
        in_specs=[pl.BlockSpec((CNT_BLK, 1), lambda i: (i, 0))],
        out_specs=pl.BlockSpec((CNT_HI, 128), lambda i: (0, 0)),
        out_shape=jax.ShapeDtypeStruct((CNT_HI, 128), jnp.float32),
        scratch_shapes=[pltpu.VMEM((CNT_HI, 128), jnp.float32)],
    )(dst2d)


def _tc_body(agg_ref, cnt_ref, x_ref, b_ref, wl_ref, bl_ref, wr_ref,
             w2_ref, b2_ref, out_ref, pooled):
    i = pl.program_id(0)

    @pl.when(i == 0)
    def _():
        pooled[...] = jnp.zeros_like(pooled)

    a = agg_ref[0] + agg_ref[1]
    cnt = cnt_ref[...]
    mean = a / jnp.maximum(cnt, 1.0)
    h = mean @ wl_ref[...] + bl_ref[...] + x_ref[...] @ wr_ref[...]
    h = jnp.maximum(h, 0.0)
    bcol = b_ref[...]
    parts = []
    for g in range(G):
        hg = jnp.where(bcol == jnp.float32(g), h, 0.0)
        parts.append(jnp.max(hg, axis=0, keepdims=True))
    blockpool = jnp.concatenate(parts, axis=0)
    pooled[...] = jnp.maximum(pooled[...], blockpool)

    @pl.when(i == TC_GRID - 1)
    def _():
        logits = pooled[...] @ w2_ref[...] + b2_ref[...]
        m = jnp.max(logits, axis=-1, keepdims=True)
        lse = jnp.log(jnp.sum(jnp.exp(logits - m), axis=-1, keepdims=True)) + m
        out_ref[...] = logits - lse


def _tc_head(agg2, cnt2d, x_pad, bcol2d, W_l, b_l, W_r, W2, b2):
    return pl.pallas_call(
        _tc_body,
        grid=(TC_GRID,),
        in_specs=[
            pl.BlockSpec((NC, TC_BLK, D), lambda i: (0, i, 0)),
            pl.BlockSpec((TC_BLK, 1), lambda i: (i, 0)),
            pl.BlockSpec((TC_BLK, D), lambda i: (i, 0)),
            pl.BlockSpec((TC_BLK, 1), lambda i: (i, 0)),
            pl.BlockSpec((D, H), lambda i: (0, 0)),
            pl.BlockSpec((1, H), lambda i: (0, 0)),
            pl.BlockSpec((D, H), lambda i: (0, 0)),
            pl.BlockSpec((H, C), lambda i: (0, 0)),
            pl.BlockSpec((1, C), lambda i: (0, 0)),
        ],
        out_specs=pl.BlockSpec((G, C), lambda i: (0, 0)),
        out_shape=jax.ShapeDtypeStruct((G, C), jnp.float32),
        scratch_shapes=[pltpu.VMEM((G, H), jnp.float32)],
    )(agg2, cnt2d, x_pad, bcol2d, W_l, b_l, W_r, W2, b2)


@jax.jit
def kernel(x, edge_index, batch, W_l, b_l, W_r, W2, b2):
    src = edge_index[0].astype(jnp.int32)
    dst = edge_index[1].astype(jnp.int32)
    pad_e = EP - E
    src_p = jnp.concatenate([src, jnp.zeros((pad_e,), jnp.int32)])
    dst_p = jnp.concatenate([dst, jnp.full((pad_e,), N, jnp.int32)])

    cnt_plane = _tc_count(dst.reshape(E, 1))
    cnt2d = cnt_plane.reshape(RP, 1)

    agg2 = _sc_aggregate(x, src_p, dst_p)

    x_pad = jnp.concatenate([x, jnp.zeros((RP - N, D), jnp.float32)])
    bcol = jnp.concatenate([batch.astype(jnp.float32),
                            jnp.full((RP - N,), jnp.float32(G))])
    return _tc_head(agg2, cnt2d, x_pad, bcol[:, None],
                    W_l, b_l.reshape(1, H), W_r, W2, b2.reshape(1, C))

# --- scband reference (transcript-rebuilt; emitter-appended) ---
"""Pipeline reference for scband-gnn-4269197492385 (READ-ONLY COPY).

The authoritative reference and input builder live on the scoring server;
editing this copy changes nothing except your own understanding.
"""

import jax, jax.numpy as jnp
import numpy as np

N = 10000
E = 320000
D = 128
H = 128
C = 2
G = 64


def setup_inputs(seed: int = 0) -> dict:
    key = jax.random.key(seed)
    ks = jax.random.split(key, 8)
    x = jax.random.normal(ks[0], (N, D), dtype=jnp.float32)
    edge_index = jax.random.randint(ks[1], (2, E), 0, N, dtype=jnp.int64)
    batch = jnp.sort(jax.random.randint(ks[2], (N,), 0, G, dtype=jnp.int64))
    # SAGEConv params: lin_l (applied to aggregated neighbors, with bias), lin_r (applied to root, no bias)
    W_l = jax.random.normal(ks[3], (D, H), dtype=jnp.float32) * (1.0 / np.sqrt(D))
    b_l = jnp.zeros((H,), dtype=jnp.float32)
    W_r = jax.random.normal(ks[4], (D, H), dtype=jnp.float32) * (1.0 / np.sqrt(D))
    # final classifier lin2
    W2 = jax.random.normal(ks[5], (H, C), dtype=jnp.float32) * (1.0 / np.sqrt(H))
    b2 = jnp.zeros((C,), dtype=jnp.float32)
    return {"x": x, "edge_index": edge_index, "batch": batch,
            "W_l": W_l, "b_l": b_l, "W_r": W_r, "W2": W2, "b2": b2}


def reference(x, edge_index, batch, W_l, b_l, W_r, W2, b2):
    src = edge_index[0]
    dst = edge_index[1]
    # SAGEConv with mean aggregation: gather messages from src, scatter-mean onto dst
    msg = jnp.take(x, src, axis=0)                       # gather  [E, D]
    agg = jax.ops.segment_sum(msg, dst, num_segments=N)  # scatter-add [N, D]
    cnt = jax.ops.segment_sum(jnp.ones((E,), dtype=x.dtype), dst, num_segments=N)
    mean = agg / jnp.clip(cnt, 1.0)[:, None]
    h = mean @ W_l + b_l + x @ W_r                        # lin_l(agg) + lin_r(x)
    h = jax.nn.relu(h)
    # global_max_pool over graph ids (segment max)
    pooled = jax.ops.segment_max(h, batch, num_segments=G)
    pooled = jnp.where(jnp.isfinite(pooled), pooled, 0.0)  # guard empty segments
    logits = pooled @ W2 + b2
    out = jax.nn.log_softmax(logits, axis=-1)
    return out

if __name__ == "__main__":
    import jax
    _d = setup_inputs()
    print(jax.jit(kernel)(*tuple(_d.values())))

</pallas_src>

<mosaic_0001>
#map = affine_map<(d0, d1) -> (0, 0)>
#map1 = affine_map<(d0, d1) -> (0, 0, 0)>
module attributes {stable_mosaic.version = 14 : i64} {
  func.func @_sc_body(%arg0: i32, %arg1: i32, %arg2: memref<10000x128xf32, #tpu.memory_space<hbm>>, %arg3: memref<2560x128xi32, #tpu.memory_space<hbm>>, %arg4: memref<2560x128xi32, #tpu.memory_space<hbm>>, %arg5: memref<128x128xf32, #tpu.memory_space<hbm>>, %arg6: memref<2x10240x128xf32, #tpu.memory_space<hbm>>, %arg7: memref<40x128xi32, #tpu.memory_space<vmem>>, %arg8: memref<40x128xi32, #tpu.memory_space<vmem>>, %arg9: memref<128x128xf32, #tpu.memory_space<vmem>>, %arg10: memref<128x128xf32, #tpu.memory_space<vmem>>, %arg11: memref<10240x128xf32, #tpu.memory_space<vmem_shared>>, %arg12: memref<!tpu.dma_semaphore, #tpu.memory_space<semaphore_mem>>, %arg13: memref<!tpu.dma_semaphore, #tpu.memory_space<semaphore_mem>>) attributes {dimension_semantics = [#tpu.dimension_semantics<core_parallel>, #tpu.dimension_semantics<subcore_parallel>], iteration_bounds = array<i64: 2, 16>, scalar_prefetch = 0 : i64, scratch_operands = 7 : i64, tpu.core_type = #tpu.core_type<sc_vector_subcore>, window_params = [{transform_indices = #map}, {transform_indices = #map}, {transform_indices = #map}, {transform_indices = #map}, {transform_indices = #map1}]} {
    %mul3A = arith.constant 2 : i32
    %mul3A_0 = arith.muli %arg1, %mul3A : i32
    %add3A = arith.addi %mul3A_0, %arg0 : i32
    %mul3A_1 = arith.constant 640 : i32
    %mul3A_2 = arith.muli %arg1, %mul3A_1 : i32
    %scan3A = arith.constant 0 : i32
    %scan3A_3 = arith.constant 0 : i32
    %scan3A_4 = arith.constant 5 : i32
    %scan3A_5 = arith.addi %scan3A_3, %scan3A_4 : i32
    %scan3A_6 = arith.constant 1 : i32
    scf.for %scan3A_56 = %scan3A_3 to %scan3A_5 step %scan3A_6  : i32 {
      %mul3A_57 = arith.constant 128 : i32
      %mul3A_58 = arith.muli %scan3A_56, %mul3A_57 : i32
      %add3A_59 = arith.addi %mul3A_2, %mul3A_58 : i32
      "tpu.region"() ({
        %run_scoped3A = tpu.sem_alloc : memref<!tpu.dma_semaphore, #tpu.memory_space<semaphore_mem>>
        %dma_start3A_60 = arith.constant 0 : i32
        %dma_start3A_61 = tpu.memref_slice %arg11[%add3A_59, %dma_start3A_60] : memref<10240x128xf32, #tpu.memory_space<vmem_shared>> -> memref<128x128xf32, #tpu.memory_space<vmem_shared>>
        tpu.enqueue_dma source(%arg5 : memref<128x128xf32, #tpu.memory_space<hbm>>) target(%dma_start3A_61 : memref<128x128xf32, #tpu.memory_space<vmem_shared>>) target_semaphore(%run_scoped3A : memref<!tpu.dma_semaphore, #tpu.memory_space<semaphore_mem>>)
        %dma_wait3A = arith.constant 0 : i32
        %dma_wait3A_62 = tpu.memref_slice %arg11[%add3A_59, %dma_wait3A] : memref<10240x128xf32, #tpu.memory_space<vmem_shared>> -> memref<128x128xf32, #tpu.memory_space<vmem_shared>>
        tpu.wait_dma2 semaphore(%run_scoped3A : memref<!tpu.dma_semaphore, #tpu.memory_space<semaphore_mem>>) src(%arg5 : memref<128x128xf32, #tpu.memory_space<hbm>>) dst(%dma_wait3A_62 : memref<128x128xf32, #tpu.memory_space<vmem_shared>>)
        tpu.yield
      }) : () -> ()
    }
    %scan3A_7 = arith.constant 5 : i32
    %barrier3A = arith.constant 0 : index
    tpu.barrier barrier_id(%barrier3A)
    %mul3A_8 = arith.constant 80 : i32
    %mul3A_9 = arith.muli %add3A, %mul3A_8 : i32
    %add3A_10 = arith.constant 0 : i32
    %add3A_11 = arith.addi %mul3A_9, %add3A_10 : i32
    "tpu.region"() ({
      %run_scoped3A = tpu.sem_alloc : memref<!tpu.dma_semaphore, #tpu.memory_space<semaphore_mem>>
      %dma_start3A_56 = arith.constant 0 : i32
      %dma_start3A_57 = tpu.memref_slice %arg3[%add3A_11, %dma_start3A_56] : memref<2560x128xi32, #tpu.memory_space<hbm>> -> memref<40x128xi32, #tpu.memory_space<hbm>>
      %dma_start3A_58 = arith.constant 0 : i32
      %dma_start3A_59 = tpu.memref_slice %arg3[%add3A_11, %dma_start3A_58] : memref<2560x128xi32, #tpu.memory_space<hbm>> -> memref<40x128xi32, #tpu.memory_space<hbm>>
      tpu.enqueue_dma source(%dma_start3A_59 : memref<40x128xi32, #tpu.memory_space<hbm>>) target(%arg7 : memref<40x128xi32, #tpu.memory_space<vmem>>) target_semaphore(%run_scoped3A : memref<!tpu.dma_semaphore, #tpu.memory_space<semaphore_mem>>)
      %dma_wait3A = arith.constant 0 : i32
      %dma_wait3A_60 = tpu.memref_slice %arg3[%add3A_11, %dma_wait3A] : memref<2560x128xi32, #tpu.memory_space<hbm>> -> memref<40x128xi32, #tpu.memory_space<hbm>>
      %dma_wait3A_61 = arith.constant 0 : i32
      %dma_wait3A_62 = tpu.memref_slice %arg3[%add3A_11, %dma_wait3A_61] : memref<2560x128xi32, #tpu.memory_space<hbm>> -> memref<40x128xi32, #tpu.memory_space<hbm>>
      tpu.wait_dma2 semaphore(%run_scoped3A : memref<!tpu.dma_semaphore, #tpu.memory_space<semaphore_mem>>) src(%dma_wait3A_62 : memref<40x128xi32, #tpu.memory_space<hbm>>) dst(%arg7 : memref<40x128xi32, #tpu.memory_space<vmem>>)
      tpu.yield
    }) : () -> ()
    "tpu.region"() ({
      %run_scoped3A = tpu.sem_alloc : memref<!tpu.dma_semaphore, #tpu.memory_space<semaphore_mem>>
      %dma_start3A_56 = arith.constant 0 : i32
      %dma_start3A_57 = tpu.memref_slice %arg4[%add3A_11, %dma_start3A_56] : memref<2560x128xi32, #tpu.memory_space<hbm>> -> memref<40x128xi32, #tpu.memory_space<hbm>>
      %dma_start3A_58 = arith.constant 0 : i32
      %dma_start3A_59 = tpu.memref_slice %arg4[%add3A_11, %dma_start3A_58] : memref<2560x128xi32, #tpu.memory_space<hbm>> -> memref<40x128xi32, #tpu.memory_space<hbm>>
      tpu.enqueue_dma source(%dma_start3A_59 : memref<40x128xi32, #tpu.memory_space<hbm>>) target(%arg8 : memref<40x128xi32, #tpu.memory_space<vmem>>) target_semaphore(%run_scoped3A : memref<!tpu.dma_semaphore, #tpu.memory_space<semaphore_mem>>)
      %dma_wait3A = arith.constant 0 : i32
      %dma_wait3A_60 = tpu.memref_slice %arg4[%add3A_11, %dma_wait3A] : memref<2560x128xi32, #tpu.memory_space<hbm>> -> memref<40x128xi32, #tpu.memory_space<hbm>>
      %dma_wait3A_61 = arith.constant 0 : i32
      %dma_wait3A_62 = tpu.memref_slice %arg4[%add3A_11, %dma_wait3A_61] : memref<2560x128xi32, #tpu.memory_space<hbm>> -> memref<40x128xi32, #tpu.memory_space<hbm>>
      tpu.wait_dma2 semaphore(%run_scoped3A : memref<!tpu.dma_semaphore, #tpu.memory_space<semaphore_mem>>) src(%dma_wait3A_62 : memref<40x128xi32, #tpu.memory_space<hbm>>) dst(%arg8 : memref<40x128xi32, #tpu.memory_space<vmem>>)
      tpu.yield
    }) : () -> ()
    %dma_start3A = arith.constant 0 : i32
    %dma_start3A_12 = arith.constant 0 : i32
    %dma_start3A_13 = tpu.memref_slice %arg7[%dma_start3A, %dma_start3A_12] : memref<40x128xi32, #tpu.memory_space<vmem>> -> memref<1x128xi32, #tpu.memory_space<vmem>>
    %dma_start3A_14 = tpu.memref_squeeze %dma_start3A_13 : memref<1x128xi32, #tpu.memory_space<vmem>> -> memref<128xi32, #tpu.memory_space<vmem>>
    %dma_start3A_15 = arith.constant 0 : i32
    %dma_start3A_16 = arith.constant 0 : i32
    %dma_start3A_17 = tpu.memref_slice %arg2[%dma_start3A_15, %dma_start3A_16] : memref<10000x128xf32, #tpu.memory_space<hbm>> -> memref<10000x128xf32, #tpu.memory_space<hbm>>
    tpu.enqueue_indirect_dma source(%dma_start3A_17 : memref<10000x128xf32, #tpu.memory_space<hbm>>) target(%arg9 : memref<128x128xf32, #tpu.memory_space<vmem>>) offsets(%dma_start3A_14 : memref<128xi32, #tpu.memory_space<vmem>>) semaphore(%arg12 : memref<!tpu.dma_semaphore, #tpu.memory_space<semaphore_mem>>)
    %dma_start3A_18 = arith.constant 1 : i32
    %dma_start3A_19 = arith.constant 0 : i32
    %dma_start3A_20 = tpu.memref_slice %arg7[%dma_start3A_18, %dma_start3A_19] : memref<40x128xi32, #tpu.memory_space<vmem>> -> memref<1x128xi32, #tpu.memory_space<vmem>>
    %dma_start3A_21 = tpu.memref_squeeze %dma_start3A_20 : memref<1x128xi32, #tpu.memory_space<vmem>> -> memref<128xi32, #tpu.memory_space<vmem>>
    %dma_start3A_22 = arith.constant 0 : i32
    %dma_start3A_23 = arith.constant 0 : i32
    %dma_start3A_24 = tpu.memref_slice %arg2[%dma_start3A_22, %dma_start3A_23] : memref<10000x128xf32, #tpu.memory_space<hbm>> -> memref<10000x128xf32, #tpu.memory_space<hbm>>
    tpu.enqueue_indirect_dma source(%dma_start3A_24 : memref<10000x128xf32, #tpu.memory_space<hbm>>) target(%arg10 : memref<128x128xf32, #tpu.memory_space<vmem>>) offsets(%dma_start3A_21 : memref<128xi32, #tpu.memory_space<vmem>>) semaphore(%arg13 : memref<!tpu.dma_semaphore, #tpu.memory_space<semaphore_mem>>)
    %scan3A_25 = arith.constant 0 : i32
    %scan3A_26 = arith.constant 0 : i32
    %scan3A_27 = arith.constant 20 : i32
    %scan3A_28 = arith.addi %scan3A_26, %scan3A_27 : i32
    %scan3A_29 = arith.constant 1 : i32
    scf.for %scan3A_56 = %scan3A_26 to %scan3A_28 step %scan3A_29  : i32 {
      %mul3A_57 = arith.constant 2 : i32
      %mul3A_58 = arith.muli %scan3A_56, %mul3A_57 : i32
      %add3A_59 = arith.constant 0 : i32
      %add3A_60 = arith.addi %mul3A_58, %add3A_59 : i32
      %dma_wait3A = arith.constant 0 : i32
      %dma_wait3A_61 = tpu.memref_slice %arg7[%add3A_60, %dma_wait3A] : memref<40x128xi32, #tpu.memory_space<vmem>> -> memref<1x128xi32, #tpu.memory_space<vmem>>
      %dma_wait3A_62 = tpu.memref_squeeze %dma_wait3A_61 : memref<1x128xi32, #tpu.memory_space<vmem>> -> memref<128xi32, #tpu.memory_space<vmem>>
      %dma_wait3A_63 = arith.constant 0 : i32
      %dma_wait3A_64 = arith.constant 0 : i32
      %dma_wait3A_65 = tpu.memref_slice %arg2[%dma_wait3A_63, %dma_wait3A_64] : memref<10000x128xf32, #tpu.memory_space<hbm>> -> memref<10000x128xf32, #tpu.memory_space<hbm>>
      tpu.wait_indirect_dma semaphore(%arg12 : memref<!tpu.dma_semaphore, #tpu.memory_space<semaphore_mem>>) src(%dma_wait3A_65 : memref<10000x128xf32, #tpu.memory_space<hbm>>) dst(%arg9 : memref<128x128xf32, #tpu.memory_space<vmem>>)
      "tpu.region"() ({
        %run_scoped3A = tpu.sem_alloc : memref<!tpu.dma_semaphore, #tpu.memory_space<semaphore_mem>>
        %dma_start3A_87 = arith.constant 0 : i32
        %dma_start3A_88 = tpu.memref_slice %arg8[%add3A_60, %dma_start3A_87] : memref<40x128xi32, #tpu.memory_space<vmem>> -> memref<1x128xi32, #tpu.memory_space<vmem>>
        %dma_start3A_89 = tpu.memref_squeeze %dma_start3A_88 : memref<1x128xi32, #tpu.memory_space<vmem>> -> memref<128xi32, #tpu.memory_space<vmem>>
        %dma_start3A_90 = arith.constant 0 : i32
        %dma_start3A_91 = arith.constant 0 : i32
        %dma_start3A_92 = tpu.memref_slice %arg11[%dma_start3A_90, %dma_start3A_91] : memref<10240x128xf32, #tpu.memory_space<vmem_shared>> -> memref<10240x128xf32, #tpu.memory_space<vmem_shared>>
        tpu.enqueue_indirect_dma source(%arg9 : memref<128x128xf32, #tpu.memory_space<vmem>>) target(%dma_start3A_92 : memref<10240x128xf32, #tpu.memory_space<vmem_shared>>) offsets(%dma_start3A_89 : memref<128xi32, #tpu.memory_space<vmem>>) semaphore(%run_scoped3A : memref<!tpu.dma_semaphore, #tpu.memory_space<semaphore_mem>>) {add = true}
        %dma_wait3A_93 = arith.constant 0 : i32
        %dma_wait3A_94 = tpu.memref_slice %arg8[%add3A_60, %dma_wait3A_93] : memref<40x128xi32, #tpu.memory_space<vmem>> -> memref<1x128xi32, #tpu.memory_space<vmem>>
        %dma_wait3A_95 = tpu.memref_squeeze %dma_wait3A_94 : memref<1x128xi32, #tpu.memory_space<vmem>> -> memref<128xi32, #tpu.memory_space<vmem>>
        %dma_wait3A_96 = arith.constant 0 : i32
        %dma_wait3A_97 = arith.constant 0 : i32
        %dma_wait3A_98 = tpu.memref_slice %arg11[%dma_wait3A_96, %dma_wait3A_97] : memref<10240x128xf32, #tpu.memory_space<vmem_shared>> -> memref<10240x128xf32, #tpu.memory_space<vmem_shared>>
        tpu.wait_indirect_dma semaphore(%run_scoped3A : memref<!tpu.dma_semaphore, #tpu.memory_space<semaphore_mem>>) src(%arg9 : memref<128x128xf32, #tpu.memory_space<vmem>>) dst(%dma_wait3A_98 : memref<10240x128xf32, #tpu.memory_space<vmem_shared>>)
        tpu.yield
      }) : () -> ()
      %add3A_66 = arith.constant 2 : i32
      %add3A_67 = arith.addi %add3A_60, %add3A_66 : i32
      %lt3A = arith.constant 40 : i32
      %lt3A_68 = arith.cmpi slt, %add3A_67, %lt3A : i32
      %convert_element_type3A = arith.extui %lt3A_68 : i1 to i32
      %cond3A = arith.constant 0 : i32
      %cond3A_69 = arith.cmpi ne, %convert_element_type3A, %cond3A : i32
      scf.if %cond3A_69 {
        %dma_start3A_87 = arith.constant 0 : i32
        %dma_start3A_88 = tpu.memref_slice %arg7[%add3A_67, %dma_start3A_87] : memref<40x128xi32, #tpu.memory_space<vmem>> -> memref<1x128xi32, #tpu.memory_space<vmem>>
        %dma_start3A_89 = tpu.memref_squeeze %dma_start3A_88 : memref<1x128xi32, #tpu.memory_space<vmem>> -> memref<128xi32, #tpu.memory_space<vmem>>
        %dma_start3A_90 = arith.constant 0 : i32
        %dma_start3A_91 = arith.constant 0 : i32
        %dma_start3A_92 = tpu.memref_slice %arg2[%dma_start3A_90, %dma_start3A_91] : memref<10000x128xf32, #tpu.memory_space<hbm>> -> memref<10000x128xf32, #tpu.memory_space<hbm>>
        tpu.enqueue_indirect_dma source(%dma_start3A_92 : memref<10000x128xf32, #tpu.memory_space<hbm>>) target(%arg9 : memref<128x128xf32, #tpu.memory_space<vmem>>) offsets(%dma_start3A_89 : memref<128xi32, #tpu.memory_space<vmem>>) semaphore(%arg12 : memref<!tpu.dma_semaphore, #tpu.memory_space<semaphore_mem>>)
      } else {
      }
      %mul3A_70 = arith.constant 2 : i32
      %mul3A_71 = arith.muli %scan3A_56, %mul3A_70 : i32
      %add3A_72 = arith.constant 1 : i32
      %add3A_73 = arith.addi %mul3A_71, %add3A_72 : i32
      %dma_wait3A_74 = arith.constant 0 : i32
      %dma_wait3A_75 = tpu.memref_slice %arg7[%add3A_73, %dma_wait3A_74] : memref<40x128xi32, #tpu.memory_space<vmem>> -> memref<1x128xi32, #tpu.memory_space<vmem>>
      %dma_wait3A_76 = tpu.memref_squeeze %dma_wait3A_75 : memref<1x128xi32, #tpu.memory_space<vmem>> -> memref<128xi32, #tpu.memory_space<vmem>>
      %dma_wait3A_77 = arith.constant 0 : i32
      %dma_wait3A_78 = arith.constant 0 : i32
      %dma_wait3A_79 = tpu.memref_slice %arg2[%dma_wait3A_77, %dma_wait3A_78] : memref<10000x128xf32, #tpu.memory_space<hbm>> -> memref<10000x128xf32, #tpu.memory_space<hbm>>
      tpu.wait_indirect_dma semaphore(%arg13 : memref<!tpu.dma_semaphore, #tpu.memory_space<semaphore_mem>>) src(%dma_wait3A_79 : memref<10000x128xf32, #tpu.memory_space<hbm>>) dst(%arg10 : memref<128x128xf32, #tpu.memory_space<vmem>>)
      "tpu.region"() ({
        %run_scoped3A = tpu.sem_alloc : memref<!tpu.dma_semaphore, #tpu.memory_space<semaphore_mem>>
        %dma_start3A_87 = arith.constant 0 : i32
        %dma_start3A_88 = tpu.memref_slice %arg8[%add3A_73, %dma_start3A_87] : memref<40x128xi32, #tpu.memory_space<vmem>> -> memref<1x128xi32, #tpu.memory_space<vmem>>
        %dma_start3A_89 = tpu.memref_squeeze %dma_start3A_88 : memref<1x128xi32, #tpu.memory_space<vmem>> -> memref<128xi32, #tpu.memory_space<vmem>>
        %dma_start3A_90 = arith.constant 0 : i32
        %dma_start3A_91 = arith.constant 0 : i32
        %dma_start3A_92 = tpu.memref_slice %arg11[%dma_start3A_90, %dma_start3A_91] : memref<10240x128xf32, #tpu.memory_space<vmem_shared>> -> memref<10240x128xf32, #tpu.memory_space<vmem_shared>>
        tpu.enqueue_indirect_dma source(%arg10 : memref<128x128xf32, #tpu.memory_space<vmem>>) target(%dma_start3A_92 : memref<10240x128xf32, #tpu.memory_space<vmem_shared>>) offsets(%dma_start3A_89 : memref<128xi32, #tpu.memory_space<vmem>>) semaphore(%run_scoped3A : memref<!tpu.dma_semaphore, #tpu.memory_space<semaphore_mem>>) {add = true}
        %dma_wait3A_93 = arith.constant 0 : i32
        %dma_wait3A_94 = tpu.memref_slice %arg8[%add3A_73, %dma_wait3A_93] : memref<40x128xi32, #tpu.memory_space<vmem>> -> memref<1x128xi32, #tpu.memory_space<vmem>>
        %dma_wait3A_95 = tpu.memref_squeeze %dma_wait3A_94 : memref<1x128xi32, #tpu.memory_space<vmem>> -> memref<128xi32, #tpu.memory_space<vmem>>
        %dma_wait3A_96 = arith.constant 0 : i32
        %dma_wait3A_97 = arith.constant 0 : i32
        %dma_wait3A_98 = tpu.memref_slice %arg11[%dma_wait3A_96, %dma_wait3A_97] : memref<10240x128xf32, #tpu.memory_space<vmem_shared>> -> memref<10240x128xf32, #tpu.memory_space<vmem_shared>>
        tpu.wait_indirect_dma semaphore(%run_scoped3A : memref<!tpu.dma_semaphore, #tpu.memory_space<semaphore_mem>>) src(%arg10 : memref<128x128xf32, #tpu.memory_space<vmem>>) dst(%dma_wait3A_98 : memref<10240x128xf32, #tpu.memory_space<vmem_shared>>)
        tpu.yield
      }) : () -> ()
      %add3A_80 = arith.constant 2 : i32
      %add3A_81 = arith.addi %add3A_73, %add3A_80 : i32
      %lt3A_82 = arith.constant 40 : i32
      %lt3A_83 = arith.cmpi slt, %add3A_81, %lt3A_82 : i32
      %convert_element_type3A_84 = arith.extui %lt3A_83 : i1 to i32
      %cond3A_85 = arith.constant 0 : i32
      %cond3A_86 = arith.cmpi ne, %convert_element_type3A_84, %cond3A_85 : i32
      scf.if %cond3A_86 {
        %dma_start3A_87 = arith.constant 0 : i32
        %dma_start3A_88 = tpu.memref_slice %arg7[%add3A_81, %dma_start3A_87] : memref<40x128xi32, #tpu.memory_space<vmem>> -> memref<1x128xi32, #tpu.memory_space<vmem>>
        %dma_start3A_89 = tpu.memref_squeeze %dma_start3A_88 : memref<1x128xi32, #tpu.memory_space<vmem>> -> memref<128xi32, #tpu.memory_space<vmem>>
        %dma_start3A_90 = arith.constant 0 : i32
        %dma_start3A_91 = arith.constant 0 : i32
        %dma_start3A_92 = tpu.memref_slice %arg2[%dma_start3A_90, %dma_start3A_91] : memref<10000x128xf32, #tpu.memory_space<hbm>> -> memref<10000x128xf32, #tpu.memory_space<hbm>>
        tpu.enqueue_indirect_dma source(%dma_start3A_92 : memref<10000x128xf32, #tpu.memory_space<hbm>>) target(%arg10 : memref<128x128xf32, #tpu.memory_space<vmem>>) offsets(%dma_start3A_89 : memref<128xi32, #tpu.memory_space<vmem>>) semaphore(%arg13 : memref<!tpu.dma_semaphore, #tpu.memory_space<semaphore_mem>>)
      } else {
      }
    }
    %scan3A_30 = arith.constant 20 : i32
    %mul3A_31 = arith.constant 80 : i32
    %mul3A_32 = arith.muli %add3A, %mul3A_31 : i32
    %add3A_33 = arith.constant 40 : i32
    %add3A_34 = arith.addi %mul3A_32, %add3A_33 : i32
    "tpu.region"() ({
      %run_scoped3A = tpu.sem_alloc : memref<!tpu.dma_semaphore, #tpu.memory_space<semaphore_mem>>
      %dma_start3A_56 = arith.constant 0 : i32
      %dma_start3A_57 = tpu.memref_slice %arg3[%add3A_34, %dma_start3A_56] : memref<2560x128xi32, #tpu.memory_space<hbm>> -> memref<40x128xi32, #tpu.memory_space<hbm>>
      %dma_start3A_58 = arith.constant 0 : i32
      %dma_start3A_59 = tpu.memref_slice %arg3[%add3A_34, %dma_start3A_58] : memref<2560x128xi32, #tpu.memory_space<hbm>> -> memref<40x128xi32, #tpu.memory_space<hbm>>
      tpu.enqueue_dma source(%dma_start3A_59 : memref<40x128xi32, #tpu.memory_space<hbm>>) target(%arg7 : memref<40x128xi32, #tpu.memory_space<vmem>>) target_semaphore(%run_scoped3A : memref<!tpu.dma_semaphore, #tpu.memory_space<semaphore_mem>>)
      %dma_wait3A = arith.constant 0 : i32
      %dma_wait3A_60 = tpu.memref_slice %arg3[%add3A_34, %dma_wait3A] : memref<2560x128xi32, #tpu.memory_space<hbm>> -> memref<40x128xi32, #tpu.memory_space<hbm>>
      %dma_wait3A_61 = arith.constant 0 : i32
      %dma_wait3A_62 = tpu.memref_slice %arg3[%add3A_34, %dma_wait3A_61] : memref<2560x128xi32, #tpu.memory_space<hbm>> -> memref<40x128xi32, #tpu.memory_space<hbm>>
      tpu.wait_dma2 semaphore(%run_scoped3A : memref<!tpu.dma_semaphore, #tpu.memory_space<semaphore_mem>>) src(%dma_wait3A_62 : memref<40x128xi32, #tpu.memory_space<hbm>>) dst(%arg7 : memref<40x128xi32, #tpu.memory_space<vmem>>)
      tpu.yield
    }) : () -> ()
    "tpu.region"() ({
      %run_scoped3A = tpu.sem_alloc : memref<!tpu.dma_semaphore, #tpu.memory_space<semaphore_mem>>
      %dma_start3A_56 = arith.constant 0 : i32
      %dma_start3A_57 = tpu.memref_slice %arg4[%add3A_34, %dma_start3A_56] : memref<2560x128xi32, #tpu.memory_space<hbm>> -> memref<40x128xi32, #tpu.memory_space<hbm>>
      %dma_start3A_58 = arith.constant 0 : i32
      %dma_start3A_59 = tpu.memref_slice %arg4[%add3A_34, %dma_start3A_58] : memref<2560x128xi32, #tpu.memory_space<hbm>> -> memref<40x128xi32, #tpu.memory_space<hbm>>
      tpu.enqueue_dma source(%dma_start3A_59 : memref<40x128xi32, #tpu.memory_space<hbm>>) target(%arg8 : memref<40x128xi32, #tpu.memory_space<vmem>>) target_semaphore(%run_scoped3A : memref<!tpu.dma_semaphore, #tpu.memory_space<semaphore_mem>>)
      %dma_wait3A = arith.constant 0 : i32
      %dma_wait3A_60 = tpu.memref_slice %arg4[%add3A_34, %dma_wait3A] : memref<2560x128xi32, #tpu.memory_space<hbm>> -> memref<40x128xi32, #tpu.memory_space<hbm>>
      %dma_wait3A_61 = arith.constant 0 : i32
      %dma_wait3A_62 = tpu.memref_slice %arg4[%add3A_34, %dma_wait3A_61] : memref<2560x128xi32, #tpu.memory_space<hbm>> -> memref<40x128xi32, #tpu.memory_space<hbm>>
      tpu.wait_dma2 semaphore(%run_scoped3A : memref<!tpu.dma_semaphore, #tpu.memory_space<semaphore_mem>>) src(%dma_wait3A_62 : memref<40x128xi32, #tpu.memory_space<hbm>>) dst(%arg8 : memref<40x128xi32, #tpu.memory_space<vmem>>)
      tpu.yield
    }) : () -> ()
    %dma_start3A_35 = arith.constant 0 : i32
    %dma_start3A_36 = arith.constant 0 : i32
    %dma_start3A_37 = tpu.memref_slice %arg7[%dma_start3A_35, %dma_start3A_36] : memref<40x128xi32, #tpu.memory_space<vmem>> -> memref<1x128xi32, #tpu.memory_space<vmem>>
    %dma_start3A_38 = tpu.memref_squeeze %dma_start3A_37 : memref<1x128xi32, #tpu.memory_space<vmem>> -> memref<128xi32, #tpu.memory_space<vmem>>
    %dma_start3A_39 = arith.constant 0 : i32
    %dma_start3A_40 = arith.constant 0 : i32
    %dma_start3A_41 = tpu.memref_slice %arg2[%dma_start3A_39, %dma_start3A_40] : memref<10000x128xf32, #tpu.memory_space<hbm>> -> memref<10000x128xf32, #tpu.memory_space<hbm>>
    tpu.enqueue_indirect_dma source(%dma_start3A_41 : memref<10000x128xf32, #tpu.memory_space<hbm>>) target(%arg9 : memref<128x128xf32, #tpu.memory_space<vmem>>) offsets(%dma_start3A_38 : memref<128xi32, #tpu.memory_space<vmem>>) semaphore(%arg12 : memref<!tpu.dma_semaphore, #tpu.memory_space<semaphore_mem>>)
    %dma_start3A_42 = arith.constant 1 : i32
    %dma_start3A_43 = arith.constant 0 : i32
    %dma_start3A_44 = tpu.memref_slice %arg7[%dma_start3A_42, %dma_start3A_43] : memref<40x128xi32, #tpu.memory_space<vmem>> -> memref<1x128xi32, #tpu.memory_space<vmem>>
    %dma_start3A_45 = tpu.memref_squeeze %dma_start3A_44 : memref<1x128xi32, #tpu.memory_space<vmem>> -> memref<128xi32, #tpu.memory_space<vmem>>
    %dma_start3A_46 = arith.constant 0 : i32
    %dma_start3A_47 = arith.constant 0 : i32
    %dma_start3A_48 = tpu.memref_slice %arg2[%dma_start3A_46, %dma_start3A_47] : memref<10000x128xf32, #tpu.memory_space<hbm>> -> memref<10000x128xf32, #tpu.memory_space<hbm>>
    tpu.enqueue_indirect_dma source(%dma_start3A_48 : memref<10000x128xf32, #tpu.memory_space<hbm>>) target(%arg10 : memref<128x128xf32, #tpu.memory_space<vmem>>) offsets(%dma_start3A_45 : memref<128xi32, #tpu.memory_space<vmem>>) semaphore(%arg13 : memref<!tpu.dma_semaphore, #tpu.memory_space<semaphore_mem>>)
    %scan3A_49 = arith.constant 0 : i32
    %scan3A_50 = arith.constant 0 : i32
    %scan3A_51 = arith.constant 20 : i32
    %scan3A_52 = arith.addi %scan3A_50, %scan3A_51 : i32
    %scan3A_53 = arith.constant 1 : i32
    scf.for %scan3A_56 = %scan3A_50 to %scan3A_52 step %scan3A_53  : i32 {
      %mul3A_57 = arith.constant 2 : i32
      %mul3A_58 = arith.muli %scan3A_56, %mul3A_57 : i32
      %add3A_59 = arith.constant 0 : i32
      %add3A_60 = arith.addi %mul3A_58, %add3A_59 : i32
      %dma_wait3A = arith.constant 0 : i32
      %dma_wait3A_61 = tpu.memref_slice %arg7[%add3A_60, %dma_wait3A] : memref<40x128xi32, #tpu.memory_space<vmem>> -> memref<1x128xi32, #tpu.memory_space<vmem>>
      %dma_wait3A_62 = tpu.memref_squeeze %dma_wait3A_61 : memref<1x128xi32, #tpu.memory_space<vmem>> -> memref<128xi32, #tpu.memory_space<vmem>>
      %dma_wait3A_63 = arith.constant 0 : i32
      %dma_wait3A_64 = arith.constant 0 : i32
      %dma_wait3A_65 = tpu.memref_slice %arg2[%dma_wait3A_63, %dma_wait3A_64] : memref<10000x128xf32, #tpu.memory_space<hbm>> -> memref<10000x128xf32, #tpu.memory_space<hbm>>
      tpu.wait_indirect_dma semaphore(%arg12 : memref<!tpu.dma_semaphore, #tpu.memory_space<semaphore_mem>>) src(%dma_wait3A_65 : memref<10000x128xf32, #tpu.memory_space<hbm>>) dst(%arg9 : memref<128x128xf32, #tpu.memory_space<vmem>>)
      "tpu.region"() ({
        %run_scoped3A = tpu.sem_alloc : memref<!tpu.dma_semaphore, #tpu.memory_space<semaphore_mem>>
        %dma_start3A_87 = arith.constant 0 : i32
        %dma_start3A_88 = tpu.memref_slice %arg8[%add3A_60, %dma_start3A_87] : memref<40x128xi32, #tpu.memory_space<vmem>> -> memref<1x128xi32, #tpu.memory_space<vmem>>
        %dma_start3A_89 = tpu.memref_squeeze %dma_start3A_88 : memref<1x128xi32, #tpu.memory_space<vmem>> -> memref<128xi32, #tpu.memory_space<vmem>>
        %dma_start3A_90 = arith.constant 0 : i32
        %dma_start3A_91 = arith.constant 0 : i32
        %dma_start3A_92 = tpu.memref_slice %arg11[%dma_start3A_90, %dma_start3A_91] : memref<10240x128xf32, #tpu.memory_space<vmem_shared>> -> memref<10240x128xf32, #tpu.memory_space<vmem_shared>>
        tpu.enqueue_indirect_dma source(%arg9 : memref<128x128xf32, #tpu.memory_space<vmem>>) target(%dma_start3A_92 : memref<10240x128xf32, #tpu.memory_space<vmem_shared>>) offsets(%dma_start3A_89 : memref<128xi32, #tpu.memory_space<vmem>>) semaphore(%run_scoped3A : memref<!tpu.dma_semaphore, #tpu.memory_space<semaphore_mem>>) {add = true}
        %dma_wait3A_93 = arith.constant 0 : i32
        %dma_wait3A_94 = tpu.memref_slice %arg8[%add3A_60, %dma_wait3A_93] : memref<40x128xi32, #tpu.memory_space<vmem>> -> memref<1x128xi32, #tpu.memory_space<vmem>>
        %dma_wait3A_95 = tpu.memref_squeeze %dma_wait3A_94 : memref<1x128xi32, #tpu.memory_space<vmem>> -> memref<128xi32, #tpu.memory_space<vmem>>
        %dma_wait3A_96 = arith.constant 0 : i32
        %dma_wait3A_97 = arith.constant 0 : i32
        %dma_wait3A_98 = tpu.memref_slice %arg11[%dma_wait3A_96, %dma_wait3A_97] : memref<10240x128xf32, #tpu.memory_space<vmem_shared>> -> memref<10240x128xf32, #tpu.memory_space<vmem_shared>>
        tpu.wait_indirect_dma semaphore(%run_scoped3A : memref<!tpu.dma_semaphore, #tpu.memory_space<semaphore_mem>>) src(%arg9 : memref<128x128xf32, #tpu.memory_space<vmem>>) dst(%dma_wait3A_98 : memref<10240x128xf32, #tpu.memory_space<vmem_shared>>)
        tpu.yield
      }) : () -> ()
      %add3A_66 = arith.constant 2 : i32
      %add3A_67 = arith.addi %add3A_60, %add3A_66 : i32
      %lt3A = arith.constant 40 : i32
      %lt3A_68 = arith.cmpi slt, %add3A_67, %lt3A : i32
      %convert_element_type3A = arith.extui %lt3A_68 : i1 to i32
      %cond3A = arith.constant 0 : i32
      %cond3A_69 = arith.cmpi ne, %convert_element_type3A, %cond3A : i32
      scf.if %cond3A_69 {
        %dma_start3A_87 = arith.constant 0 : i32
        %dma_start3A_88 = tpu.memref_slice %arg7[%add3A_67, %dma_start3A_87] : memref<40x128xi32, #tpu.memory_space<vmem>> -> memref<1x128xi32, #tpu.memory_space<vmem>>
        %dma_start3A_89 = tpu.memref_squeeze %dma_start3A_88 : memref<1x128xi32, #tpu.memory_space<vmem>> -> memref<128xi32, #tpu.memory_space<vmem>>
        %dma_start3A_90 = arith.constant 0 : i32
        %dma_start3A_91 = arith.constant 0 : i32
        %dma_start3A_92 = tpu.memref_slice %arg2[%dma_start3A_90, %dma_start3A_91] : memref<10000x128xf32, #tpu.memory_space<hbm>> -> memref<10000x128xf32, #tpu.memory_space<hbm>>
        tpu.enqueue_indirect_dma source(%dma_start3A_92 : memref<10000x128xf32, #tpu.memory_space<hbm>>) target(%arg9 : memref<128x128xf32, #tpu.memory_space<vmem>>) offsets(%dma_start3A_89 : memref<128xi32, #tpu.memory_space<vmem>>) semaphore(%arg12 : memref<!tpu.dma_semaphore, #tpu.memory_space<semaphore_mem>>)
      } else {
      }
      %mul3A_70 = arith.constant 2 : i32
      %mul3A_71 = arith.muli %scan3A_56, %mul3A_70 : i32
      %add3A_72 = arith.constant 1 : i32
      %add3A_73 = arith.addi %mul3A_71, %add3A_72 : i32
      %dma_wait3A_74 = arith.constant 0 : i32
      %dma_wait3A_75 = tpu.memref_slice %arg7[%add3A_73, %dma_wait3A_74] : memref<40x128xi32, #tpu.memory_space<vmem>> -> memref<1x128xi32, #tpu.memory_space<vmem>>
      %dma_wait3A_76 = tpu.memref_squeeze %dma_wait3A_75 : memref<1x128xi32, #tpu.memory_space<vmem>> -> memref<128xi32, #tpu.memory_space<vmem>>
      %dma_wait3A_77 = arith.constant 0 : i32
      %dma_wait3A_78 = arith.constant 0 : i32
      %dma_wait3A_79 = tpu.memref_slice %arg2[%dma_wait3A_77, %dma_wait3A_78] : memref<10000x128xf32, #tpu.memory_space<hbm>> -> memref<10000x128xf32, #tpu.memory_space<hbm>>
      tpu.wait_indirect_dma semaphore(%arg13 : memref<!tpu.dma_semaphore, #tpu.memory_space<semaphore_mem>>) src(%dma_wait3A_79 : memref<10000x128xf32, #tpu.memory_space<hbm>>) dst(%arg10 : memref<128x128xf32, #tpu.memory_space<vmem>>)
      "tpu.region"() ({
        %run_scoped3A = tpu.sem_alloc : memref<!tpu.dma_semaphore, #tpu.memory_space<semaphore_mem>>
        %dma_start3A_87 = arith.constant 0 : i32
        %dma_start3A_88 = tpu.memref_slice %arg8[%add3A_73, %dma_start3A_87] : memref<40x128xi32, #tpu.memory_space<vmem>> -> memref<1x128xi32, #tpu.memory_space<vmem>>
        %dma_start3A_89 = tpu.memref_squeeze %dma_start3A_88 : memref<1x128xi32, #tpu.memory_space<vmem>> -> memref<128xi32, #tpu.memory_space<vmem>>
        %dma_start3A_90 = arith.constant 0 : i32
        %dma_start3A_91 = arith.constant 0 : i32
        %dma_start3A_92 = tpu.memref_slice %arg11[%dma_start3A_90, %dma_start3A_91] : memref<10240x128xf32, #tpu.memory_space<vmem_shared>> -> memref<10240x128xf32, #tpu.memory_space<vmem_shared>>
        tpu.enqueue_indirect_dma source(%arg10 : memref<128x128xf32, #tpu.memory_space<vmem>>) target(%dma_start3A_92 : memref<10240x128xf32, #tpu.memory_space<vmem_shared>>) offsets(%dma_start3A_89 : memref<128xi32, #tpu.memory_space<vmem>>) semaphore(%run_scoped3A : memref<!tpu.dma_semaphore, #tpu.memory_space<semaphore_mem>>) {add = true}
        %dma_wait3A_93 = arith.constant 0 : i32
        %dma_wait3A_94 = tpu.memref_slice %arg8[%add3A_73, %dma_wait3A_93] : memref<40x128xi32, #tpu.memory_space<vmem>> -> memref<1x128xi32, #tpu.memory_space<vmem>>
        %dma_wait3A_95 = tpu.memref_squeeze %dma_wait3A_94 : memref<1x128xi32, #tpu.memory_space<vmem>> -> memref<128xi32, #tpu.memory_space<vmem>>
        %dma_wait3A_96 = arith.constant 0 : i32
        %dma_wait3A_97 = arith.constant 0 : i32
        %dma_wait3A_98 = tpu.memref_slice %arg11[%dma_wait3A_96, %dma_wait3A_97] : memref<10240x128xf32, #tpu.memory_space<vmem_shared>> -> memref<10240x128xf32, #tpu.memory_space<vmem_shared>>
        tpu.wait_indirect_dma semaphore(%run_scoped3A : memref<!tpu.dma_semaphore, #tpu.memory_space<semaphore_mem>>) src(%arg10 : memref<128x128xf32, #tpu.memory_space<vmem>>) dst(%dma_wait3A_98 : memref<10240x128xf32, #tpu.memory_space<vmem_shared>>)
        tpu.yield
      }) : () -> ()
      %add3A_80 = arith.constant 2 : i32
      %add3A_81 = arith.addi %add3A_73, %add3A_80 : i32
      %lt3A_82 = arith.constant 40 : i32
      %lt3A_83 = arith.cmpi slt, %add3A_81, %lt3A_82 : i32
      %convert_element_type3A_84 = arith.extui %lt3A_83 : i1 to i32
      %cond3A_85 = arith.constant 0 : i32
      %cond3A_86 = arith.cmpi ne, %convert_element_type3A_84, %cond3A_85 : i32
      scf.if %cond3A_86 {
        %dma_start3A_87 = arith.constant 0 : i32
        %dma_start3A_88 = tpu.memref_slice %arg7[%add3A_81, %dma_start3A_87] : memref<40x128xi32, #tpu.memory_space<vmem>> -> memref<1x128xi32, #tpu.memory_space<vmem>>
        %dma_start3A_89 = tpu.memref_squeeze %dma_start3A_88 : memref<1x128xi32, #tpu.memory_space<vmem>> -> memref<128xi32, #tpu.memory_space<vmem>>
        %dma_start3A_90 = arith.constant 0 : i32
        %dma_start3A_91 = arith.constant 0 : i32
        %dma_start3A_92 = tpu.memref_slice %arg2[%dma_start3A_90, %dma_start3A_91] : memref<10000x128xf32, #tpu.memory_space<hbm>> -> memref<10000x128xf32, #tpu.memory_space<hbm>>
        tpu.enqueue_indirect_dma source(%dma_start3A_92 : memref<10000x128xf32, #tpu.memory_space<hbm>>) target(%arg10 : memref<128x128xf32, #tpu.memory_space<vmem>>) offsets(%dma_start3A_89 : memref<128xi32, #tpu.memory_space<vmem>>) semaphore(%arg13 : memref<!tpu.dma_semaphore, #tpu.memory_space<semaphore_mem>>)
      } else {
      }
    }
    %scan3A_54 = arith.constant 20 : i32
    %barrier3A_55 = arith.constant 0 : index
    tpu.barrier barrier_id(%barrier3A_55)
    "tpu.region"() ({
      %run_scoped3A = tpu.sem_alloc : memref<!tpu.dma_semaphore, #tpu.memory_space<semaphore_mem>>
      %dma_start3A_56 = arith.constant 0 : i32
      %dma_start3A_57 = tpu.memref_slice %arg6[%arg0, %mul3A_2, %dma_start3A_56] : memref<2x10240x128xf32, #tpu.memory_space<hbm>> -> memref<1x640x128xf32, #tpu.memory_space<hbm>>
      %dma_start3A_58 = tpu.memref_squeeze %dma_start3A_57 : memref<1x640x128xf32, #tpu.memory_space<hbm>> -> memref<640x128xf32, #tpu.memory_space<hbm>>
      %dma_start3A_59 = arith.constant 0 : i32
      %dma_start3A_60 = tpu.memref_slice %arg11[%mul3A_2, %dma_start3A_59] : memref<10240x128xf32, #tpu.memory_space<vmem_shared>> -> memref<640x128xf32, #tpu.memory_space<vmem_shared>>
      tpu.enqueue_dma source(%dma_start3A_60 : memref<640x128xf32, #tpu.memory_space<vmem_shared>>) target(%dma_start3A_58 : memref<640x128xf32, #tpu.memory_space<hbm>>) target_semaphore(%run_scoped3A : memref<!tpu.dma_semaphore, #tpu.memory_space<semaphore_mem>>)
      %dma_wait3A = arith.constant 0 : i32
      %dma_wait3A_61 = tpu.memref_slice %arg6[%arg0, %mul3A_2, %dma_wait3A] : memref<2x10240x128xf32, #tpu.memory_space<hbm>> -> memref<1x640x128xf32, #tpu.memory_space<hbm>>
      %dma_wait3A_62 = tpu.memref_squeeze %dma_wait3A_61 : memref<1x640x128xf32, #tpu.memory_space<hbm>> -> memref<640x128xf32, #tpu.memory_space<hbm>>
      %dma_wait3A_63 = arith.constant 0 : i32
      %dma_wait3A_64 = tpu.memref_slice %arg11[%mul3A_2, %dma_wait3A_63] : memref<10240x128xf32, #tpu.memory_space<vmem_shared>> -> memref<640x128xf32, #tpu.memory_space<vmem_shared>>
      tpu.wait_dma2 semaphore(%run_scoped3A : memref<!tpu.dma_semaphore, #tpu.memory_space<semaphore_mem>>) src(%dma_wait3A_64 : memref<640x128xf32, #tpu.memory_space<vmem_shared>>) dst(%dma_wait3A_62 : memref<640x128xf32, #tpu.memory_space<hbm>>)
      tpu.yield
    }) : () -> ()
    return
  }
}

module attributes {stable_mosaic.version = 14 : i64} {
  func.func @_cnt_body(%arg0: i32, %arg1: memref<8000x1xi32, #tpu.memory_space<vmem>>, %arg2: memref<80x128xf32, #tpu.memory_space<vmem>>, %arg3: memref<80x128xf32, #tpu.memory_space<vmem>>) attributes {dimension_semantics = [#tpu.dimension_semantics<arbitrary>], iteration_bounds = array<i64: 40>, scalar_prefetch = 0 : i64, scratch_operands = 1 : i64, tpu.core_type = #tpu.core_type<tc>, window_params = [{transform_indices = @transform_0, window_bounds = array<i64: 8000, 1>}, {pipeline_mode = #tpu.pipeline_mode<synchronous>, transform_indices = @transform_1, window_bounds = array<i64: 80, 128>}]} {
    %eq3A = arith.constant 0 : i32
    %eq3A_0 = arith.cmpi eq, %arg0, %eq3A : i32
    %convert_element_type3A = arith.extui %eq3A_0 : i1 to i32
    %cond3A = arith.constant 0 : i32
    %cond3A_1 = arith.cmpi ne, %convert_element_type3A, %cond3A : i32
    scf.if %cond3A_1 {
      %broadcast_in_dim3A = arith.constant 0.000000e+00 : f32
      %broadcast_in_dim3A_30 = vector.broadcast %broadcast_in_dim3A : f32 to vector<80x128xf32>
      %swap3A_31 = arith.constant 0 : index
      %swap3A_32 = arith.constant 0 : index
      %swap3A_33 = vector.load %arg3[%swap3A_31, %swap3A_32] : memref<80x128xf32, #tpu.memory_space<vmem>>, vector<80x128xf32>
      tpu.vector_store %arg3[%swap3A_31, %swap3A_32], %broadcast_in_dim3A_30 {strides = array<i32>} : memref<80x128xf32, #tpu.memory_space<vmem>>, vector<80x128xf32>,
    } else {
    }
    %get3A = arith.constant 0 : index
    %get3A_2 = arith.constant 0 : index
    %get3A_3 = vector.load %arg1[%get3A, %get3A_2] : memref<8000x1xi32, #tpu.memory_space<vmem>>, vector<8000x1xi32>
    %shift_right_logical3A = arith.constant 7 : i32
    %shift_right_logical3A_4 = vector.broadcast %shift_right_logical3A : i32 to vector<8000x1xi32>
    %shift_right_logical3A_5 = arith.shrui %get3A_3, %shift_right_logical3A_4 : vector<8000x1xi32>
    %and3A = arith.constant 127 : i32
    %and3A_6 = vector.broadcast %and3A : i32 to vector<8000x1xi32>
    %and3A_7 = arith.andi %get3A_3, %and3A_6 : vector<8000x1xi32>
    %iota3A = tpu.iota {dimensions = array<i32: 1>} : vector<8000x80xi32>
    %eq3A_8 = vector.broadcast %shift_right_logical3A_5 : vector<8000x1xi32> to vector<8000x80xi32>
    %eq3A_9 = arith.cmpi eq, %eq3A_8, %iota3A : vector<8000x80xi32>
    %iota3A_10 = tpu.iota {dimensions = array<i32: 1>} : vector<8000x128xi32>
    %eq3A_11 = vector.broadcast %and3A_7 : vector<8000x1xi32> to vector<8000x128xi32>
    %eq3A_12 = arith.cmpi eq, %eq3A_11, %iota3A_10 : vector<8000x128xi32>
    %get3A_13 = arith.constant 0 : index
    %get3A_14 = arith.constant 0 : index
    %get3A_15 = vector.load %arg3[%get3A_13, %get3A_14] : memref<80x128xf32, #tpu.memory_space<vmem>>, vector<80x128xf32>
    %convert_element_type3A_16 = arith.extui %eq3A_9 : vector<8000x80xi1> to vector<8000x80xi32>
    %convert_element_type3A_17 = arith.sitofp %convert_element_type3A_16 : vector<8000x80xi32> to vector<8000x80xf32>
    %convert_element_type3A_18 = arith.truncf %convert_element_type3A_17 : vector<8000x80xf32> to vector<8000x80xbf16>
    %convert_element_type3A_19 = arith.extui %eq3A_12 : vector<8000x128xi1> to vector<8000x128xi32>
    %convert_element_type3A_20 = arith.sitofp %convert_element_type3A_19 : vector<8000x128xi32> to vector<8000x128xf32>
    %convert_element_type3A_21 = arith.truncf %convert_element_type3A_20 : vector<8000x128xf32> to vector<8000x128xbf16>
    %dot_general3A = arith.constant dense<0.000000e+00> : vector<80x128xf32>
    %dot_general3A_22 = tpu.matmul %convert_element_type3A_18, %convert_element_type3A_21, %dot_general3A {dimension_numbers = #tpu.dot_dimension_numbers<[0], [0], [1], [1], [0, 1, 1, 1], [], []>, transpose_lhs_hint = false} : vector<8000x80xbf16>, vector<8000x128xbf16>, vector<80x128xf32> -> vector<80x128xf32>
    %add3A = arith.addf %get3A_15, %dot_general3A_22 : vector<80x128xf32>
    %swap3A = arith.constant 0 : index
    %swap3A_23 = arith.constant 0 : index
    %swap3A_24 = vector.load %arg3[%swap3A, %swap3A_23] : memref<80x128xf32, #tpu.memory_space<vmem>>, vector<80x128xf32>
    tpu.vector_store %arg3[%swap3A, %swap3A_23], %add3A {strides = array<i32>} : memref<80x128xf32, #tpu.memory_space<vmem>>, vector<80x128xf32>,
    %eq3A_25 = arith.constant 39 : i32
    %eq3A_26 = arith.cmpi eq, %arg0, %eq3A_25 : i32
    %convert_element_type3A_27 = arith.extui %eq3A_26 : i1 to i32
    %cond3A_28 = arith.constant 0 : i32
    %cond3A_29 = arith.cmpi ne, %convert_element_type3A_27, %cond3A_28 : i32
    scf.if %cond3A_29 {
      %get3A_30 = arith.constant 0 : index
      %get3A_31 = arith.constant 0 : index
      %get3A_32 = vector.load %arg3[%get3A_30, %get3A_31] : memref<80x128xf32, #tpu.memory_space<vmem>>, vector<80x128xf32>
      %swap3A_33 = arith.constant 0 : index
      %swap3A_34 = arith.constant 0 : index
      %swap3A_35 = vector.load %arg2[%swap3A_33, %swap3A_34] : memref<80x128xf32, #tpu.memory_space<vmem>>, vector<80x128xf32>
      tpu.vector_store %arg2[%swap3A_33, %swap3A_34], %get3A_32 {strides = array<i32>} : memref<80x128xf32, #tpu.memory_space<vmem>>, vector<80x128xf32>,
    } else {
    }
    return
  }
  func.func @transform_0(%arg0: i32) -> (i32, i32) {
    %c0_i32 = arith.constant 0 : i32
    %c0_i32_0 = arith.constant 0 : i32
    return %arg0, %c0_i32 : i32, i32
  }
  func.func @transform_1(%arg0: i32) -> (i32, i32) {
    %c0_i32 = arith.constant 0 : i32
    %c0_i32_0 = arith.constant 0 : i32
    %c0_i32_1 = arith.constant 0 : i32
    return %c0_i32, %c0_i32_0 : i32, i32
  }
}

module attributes {stable_mosaic.version = 14 : i64} {
  func.func @_tc_body(%arg0: i32, %arg1: memref<2x1024x128xf32, #tpu.memory_space<vmem>>, %arg2: memref<1024x1xf32, #tpu.memory_space<vmem>>, %arg3: memref<1024x128xf32, #tpu.memory_space<vmem>>, %arg4: memref<1024x1xf32, #tpu.memory_space<vmem>>, %arg5: memref<128x128xf32, #tpu.memory_space<vmem>>, %arg6: memref<1x128xf32, #tpu.memory_space<vmem>>, %arg7: memref<128x128xf32, #tpu.memory_space<vmem>>, %arg8: memref<128x2xf32, #tpu.memory_space<vmem>>, %arg9: memref<1x2xf32, #tpu.memory_space<vmem>>, %arg10: memref<64x2xf32, #tpu.memory_space<vmem>>, %arg11: memref<64x128xf32, #tpu.memory_space<vmem>>) attributes {dimension_semantics = [#tpu.dimension_semantics<arbitrary>], iteration_bounds = array<i64: 10>, scalar_prefetch = 0 : i64, scratch_operands = 1 : i64, tpu.core_type = #tpu.core_type<tc>, window_params = [{transform_indices = @transform_0, window_bounds = array<i64: 2, 1024, 128>}, {transform_indices = @transform_1, window_bounds = array<i64: 1024, 1>}, {transform_indices = @transform_2, window_bounds = array<i64: 1024, 128>}, {transform_indices = @transform_3, window_bounds = array<i64: 1024, 1>}, {pipeline_mode = #tpu.pipeline_mode<synchronous>, transform_indices = @transform_4, window_bounds = array<i64: 128, 128>}, {pipeline_mode = #tpu.pipeline_mode<synchronous>, transform_indices = @transform_5, window_bounds = array<i64: 1, 128>}, {pipeline_mode = #tpu.pipeline_mode<synchronous>, transform_indices = @transform_6, window_bounds = array<i64: 128, 128>}, {pipeline_mode = #tpu.pipeline_mode<synchronous>, transform_indices = @transform_7, window_bounds = array<i64: 128, 2>}, {pipeline_mode = #tpu.pipeline_mode<synchronous>, transform_indices = @transform_8, window_bounds = array<i64: 1, 2>}, {pipeline_mode = #tpu.pipeline_mode<synchronous>, transform_indices = @transform_9, window_bounds = array<i64: 64, 2>}]} {
    %eq3A = arith.constant 0 : i32
    %eq3A_0 = arith.cmpi eq, %arg0, %eq3A : i32
    %convert_element_type3A = arith.extui %eq3A_0 : i1 to i32
    %cond3A = arith.constant 0 : i32
    %cond3A_1 = arith.cmpi ne, %convert_element_type3A, %cond3A : i32
    scf.if %cond3A_1 {
      %broadcast_in_dim3A_752 = arith.constant 0.000000e+00 : f32
      %broadcast_in_dim3A_753 = vector.broadcast %broadcast_in_dim3A_752 : f32 to vector<64x128xf32>
      %swap3A_754 = arith.constant 0 : index
      %swap3A_755 = arith.constant 0 : index
      %swap3A_756 = vector.load %arg11[%swap3A_754, %swap3A_755] : memref<64x128xf32, #tpu.memory_space<vmem>>, vector<64x128xf32>
      tpu.vector_store %arg11[%swap3A_754, %swap3A_755], %broadcast_in_dim3A_753 {strides = array<i32>} : memref<64x128xf32, #tpu.memory_space<vmem>>, vector<64x128xf32>,
    } else {
    }
    %get3A = arith.constant 0 : index
    %get3A_2 = arith.constant 0 : index
    %get3A_3 = arith.constant 0 : index
    %get3A_4 = vector.load %arg1[%get3A, %get3A_2, %get3A_3] : memref<2x1024x128xf32, #tpu.memory_space<vmem>>, vector<1x1024x128xf32>
    %get3A_5 = vector.shape_cast %get3A_4 : vector<1x1024x128xf32> to vector<1024x128xf32>
    %get3A_6 = arith.constant 1 : index
    %get3A_7 = arith.constant 0 : index
    %get3A_8 = arith.constant 0 : index
    %get3A_9 = vector.load %arg1[%get3A_6, %get3A_7, %get3A_8] : memref<2x1024x128xf32, #tpu.memory_space<vmem>>, vector<1x1024x128xf32>
    %get3A_10 = vector.shape_cast %get3A_9 : vector<1x1024x128xf32> to vector<1024x128xf32>
    %add3A = arith.addf %get3A_5, %get3A_10 : vector<1024x128xf32>
    %get3A_11 = arith.constant 0 : index
    %get3A_12 = arith.constant 0 : index
    %get3A_13 = vector.load %arg2[%get3A_11, %get3A_12] : memref<1024x1xf32, #tpu.memory_space<vmem>>, vector<1024x1xf32>
    %max3A = arith.constant 1.000000e+00 : f32
    %max3A_14 = vector.broadcast %max3A : f32 to vector<1024x1xf32>
    %max3A_15 = arith.maximumf %get3A_13, %max3A_14 : vector<1024x1xf32>
    %div3A = vector.broadcast %max3A_15 : vector<1024x1xf32> to vector<1024x128xf32>
    %div3A_16 = arith.divf %add3A, %div3A : vector<1024x128xf32>
    %get3A_17 = arith.constant 0 : index
    %get3A_18 = arith.constant 0 : index
    %get3A_19 = vector.load %arg5[%get3A_17, %get3A_18] : memref<128x128xf32, #tpu.memory_space<vmem>>, vector<128x128xf32>
    %dot_general3A = arith.constant dense<0.000000e+00> : vector<1024x128xf32>
    %dot_general3A_20 = tpu.matmul %div3A_16, %get3A_19, %dot_general3A {dimension_numbers = #tpu.dot_dimension_numbers<[1], [0], [0], [1], [0, 0, 1, 1], [], []>, transpose_lhs_hint = false} : vector<1024x128xf32>, vector<128x128xf32>, vector<1024x128xf32> -> vector<1024x128xf32>
    %get3A_21 = arith.constant 0 : index
    %get3A_22 = arith.constant 0 : index
    %get3A_23 = vector.load %arg6[%get3A_21, %get3A_22] : memref<1x128xf32, #tpu.memory_space<vmem>>, vector<1x128xf32>
    %add3A_24 = vector.broadcast %get3A_23 : vector<1x128xf32> to vector<1024x128xf32>
    %add3A_25 = arith.addf %dot_general3A_20, %add3A_24 : vector<1024x128xf32>
    %get3A_26 = arith.constant 0 : index
    %get3A_27 = arith.constant 0 : index
    %get3A_28 = vector.load %arg3[%get3A_26, %get3A_27] : memref<1024x128xf32, #tpu.memory_space<vmem>>, vector<1024x128xf32>
    %get3A_29 = arith.constant 0 : index
    %get3A_30 = arith.constant 0 : index
    %get3A_31 = vector.load %arg7[%get3A_29, %get3A_30] : memref<128x128xf32, #tpu.memory_space<vmem>>, vector<128x128xf32>
    %dot_general3A_32 = arith.constant dense<0.000000e+00> : vector<1024x128xf32>
    %dot_general3A_33 = tpu.matmul %get3A_28, %get3A_31, %dot_general3A_32 {dimension_numbers = #tpu.dot_dimension_numbers<[1], [0], [0], [1], [0, 0, 1, 1], [], []>, transpose_lhs_hint = false} : vector<1024x128xf32>, vector<128x128xf32>, vector<1024x128xf32> -> vector<1024x128xf32>
    %add3A_34 = arith.addf %add3A_25, %dot_general3A_33 : vector<1024x128xf32>
    %max3A_35 = arith.constant 0.000000e+00 : f32
    %max3A_36 = vector.broadcast %max3A_35 : f32 to vector<1024x128xf32>
    %max3A_37 = arith.maximumf %add3A_34, %max3A_36 : vector<1024x128xf32>
    %get3A_38 = arith.constant 0 : index
    %get3A_39 = arith.constant 0 : index
    %get3A_40 = vector.load %arg4[%get3A_38, %get3A_39] : memref<1024x1xf32, #tpu.memory_space<vmem>>, vector<1024x1xf32>
    %eq3A_41 = arith.constant 0.000000e+00 : f32
    %eq3A_42 = vector.broadcast %eq3A_41 : f32 to vector<1024x1xf32>
    %eq3A_43 = arith.cmpf oeq, %get3A_40, %eq3A_42 : vector<1024x1xf32>
    %jit3A = arith.constant 0.000000e+00 : f32
    %broadcast_in_dim3A = vector.shape_cast %eq3A_43 : vector<1024x1xi1> to vector<1024x1xi1>
    %broadcast_in_dim3A_44 = vector.broadcast %broadcast_in_dim3A : vector<1024x1xi1> to vector<1024x128xi1>
    %broadcast_in_dim3A_45 = vector.broadcast %jit3A : f32 to vector<1024x128xf32>
    %select_n3A = arith.select %broadcast_in_dim3A_44, %max3A_37, %broadcast_in_dim3A_45 : vector<1024x128xi1>, vector<1024x128xf32>
    %reduce_max3A = arith.constant dense<0xFF800000> : vector<128xf32>
    %reduce_max3A_46 = vector.multi_reduction <maximumf>, %select_n3A, %reduce_max3A [0] : vector<1024x128xf32> to vector<128xf32>
    %broadcast_in_dim3A_47 = vector.shape_cast %reduce_max3A_46 : vector<128xf32> to vector<1x128xf32>
    %eq3A_48 = arith.constant 1.000000e+00 : f32
    %eq3A_49 = vector.broadcast %eq3A_48 : f32 to vector<1024x1xf32>
    %eq3A_50 = arith.cmpf oeq, %get3A_40, %eq3A_49 : vector<1024x1xf32>
    %jit3A_51 = arith.constant 0.000000e+00 : f32
    %broadcast_in_dim3A_52 = vector.shape_cast %eq3A_50 : vector<1024x1xi1> to vector<1024x1xi1>
    %broadcast_in_dim3A_53 = vector.broadcast %broadcast_in_dim3A_52 : vector<1024x1xi1> to vector<1024x128xi1>
    %broadcast_in_dim3A_54 = vector.broadcast %jit3A_51 : f32 to vector<1024x128xf32>
    %select_n3A_55 = arith.select %broadcast_in_dim3A_53, %max3A_37, %broadcast_in_dim3A_54 : vector<1024x128xi1>, vector<1024x128xf32>
    %reduce_max3A_56 = arith.constant dense<0xFF800000> : vector<128xf32>
    %reduce_max3A_57 = vector.multi_reduction <maximumf>, %select_n3A_55, %reduce_max3A_56 [0] : vector<1024x128xf32> to vector<128xf32>
    %broadcast_in_dim3A_58 = vector.shape_cast %reduce_max3A_57 : vector<128xf32> to vector<1x128xf32>
    %eq3A_59 = arith.constant 2.000000e+00 : f32
    %eq3A_60 = vector.broadcast %eq3A_59 : f32 to vector<1024x1xf32>
    %eq3A_61 = arith.cmpf oeq, %get3A_40, %eq3A_60 : vector<1024x1xf32>
    %jit3A_62 = arith.constant 0.000000e+00 : f32
    %broadcast_in_dim3A_63 = vector.shape_cast %eq3A_61 : vector<1024x1xi1> to vector<1024x1xi1>
    %broadcast_in_dim3A_64 = vector.broadcast %broadcast_in_dim3A_63 : vector<1024x1xi1> to vector<1024x128xi1>
    %broadcast_in_dim3A_65 = vector.broadcast %jit3A_62 : f32 to vector<1024x128xf32>
    %select_n3A_66 = arith.select %broadcast_in_dim3A_64, %max3A_37, %broadcast_in_dim3A_65 : vector<1024x128xi1>, vector<1024x128xf32>
    %reduce_max3A_67 = arith.constant dense<0xFF800000> : vector<128xf32>
    %reduce_max3A_68 = vector.multi_reduction <maximumf>, %select_n3A_66, %reduce_max3A_67 [0] : vector<1024x128xf32> to vector<128xf32>
    %broadcast_in_dim3A_69 = vector.shape_cast %reduce_max3A_68 : vector<128xf32> to vector<1x128xf32>
    %eq3A_70 = arith.constant 3.000000e+00 : f32
    %eq3A_71 = vector.broadcast %eq3A_70 : f32 to vector<1024x1xf32>
    %eq3A_72 = arith.cmpf oeq, %get3A_40, %eq3A_71 : vector<1024x1xf32>
    %jit3A_73 = arith.constant 0.000000e+00 : f32
    %broadcast_in_dim3A_74 = vector.shape_cast %eq3A_72 : vector<1024x1xi1> to vector<1024x1xi1>
    %broadcast_in_dim3A_75 = vector.broadcast %broadcast_in_dim3A_74 : vector<1024x1xi1> to vector<1024x128xi1>
    %broadcast_in_dim3A_76 = vector.broadcast %jit3A_73 : f32 to vector<1024x128xf32>
    %select_n3A_77 = arith.select %broadcast_in_dim3A_75, %max3A_37, %broadcast_in_dim3A_76 : vector<1024x128xi1>, vector<1024x128xf32>
    %reduce_max3A_78 = arith.constant dense<0xFF800000> : vector<128xf32>
    %reduce_max3A_79 = vector.multi_reduction <maximumf>, %select_n3A_77, %reduce_max3A_78 [0] : vector<1024x128xf32> to vector<128xf32>
    %broadcast_in_dim3A_80 = vector.shape_cast %reduce_max3A_79 : vector<128xf32> to vector<1x128xf32>
    %eq3A_81 = arith.constant 4.000000e+00 : f32
    %eq3A_82 = vector.broadcast %eq3A_81 : f32 to vector<1024x1xf32>
    %eq3A_83 = arith.cmpf oeq, %get3A_40, %eq3A_82 : vector<1024x1xf32>
    %jit3A_84 = arith.constant 0.000000e+00 : f32
    %broadcast_in_dim3A_85 = vector.shape_cast %eq3A_83 : vector<1024x1xi1> to vector<1024x1xi1>
    %broadcast_in_dim3A_86 = vector.broadcast %broadcast_in_dim3A_85 : vector<1024x1xi1> to vector<1024x128xi1>
    %broadcast_in_dim3A_87 = vector.broadcast %jit3A_84 : f32 to vector<1024x128xf32>
    %select_n3A_88 = arith.select %broadcast_in_dim3A_86, %max3A_37, %broadcast_in_dim3A_87 : vector<1024x128xi1>, vector<1024x128xf32>
    %reduce_max3A_89 = arith.constant dense<0xFF800000> : vector<128xf32>
    %reduce_max3A_90 = vector.multi_reduction <maximumf>, %select_n3A_88, %reduce_max3A_89 [0] : vector<1024x128xf32> to vector<128xf32>
    %broadcast_in_dim3A_91 = vector.shape_cast %reduce_max3A_90 : vector<128xf32> to vector<1x128xf32>
    %eq3A_92 = arith.constant 5.000000e+00 : f32
    %eq3A_93 = vector.broadcast %eq3A_92 : f32 to vector<1024x1xf32>
    %eq3A_94 = arith.cmpf oeq, %get3A_40, %eq3A_93 : vector<1024x1xf32>
    %jit3A_95 = arith.constant 0.000000e+00 : f32
    %broadcast_in_dim3A_96 = vector.shape_cast %eq3A_94 : vector<1024x1xi1> to vector<1024x1xi1>
    %broadcast_in_dim3A_97 = vector.broadcast %broadcast_in_dim3A_96 : vector<1024x1xi1> to vector<1024x128xi1>
    %broadcast_in_dim3A_98 = vector.broadcast %jit3A_95 : f32 to vector<1024x128xf32>
    %select_n3A_99 = arith.select %broadcast_in_dim3A_97, %max3A_37, %broadcast_in_dim3A_98 : vector<1024x128xi1>, vector<1024x128xf32>
    %reduce_max3A_100 = arith.constant dense<0xFF800000> : vector<128xf32>
    %reduce_max3A_101 = vector.multi_reduction <maximumf>, %select_n3A_99, %reduce_max3A_100 [0] : vector<1024x128xf32> to vector<128xf32>
    %broadcast_in_dim3A_102 = vector.shape_cast %reduce_max3A_101 : vector<128xf32> to vector<1x128xf32>
    %eq3A_103 = arith.constant 6.000000e+00 : f32
    %eq3A_104 = vector.broadcast %eq3A_103 : f32 to vector<1024x1xf32>
    %eq3A_105 = arith.cmpf oeq, %get3A_40, %eq3A_104 : vector<1024x1xf32>
    %jit3A_106 = arith.constant 0.000000e+00 : f32
    %broadcast_in_dim3A_107 = vector.shape_cast %eq3A_105 : vector<1024x1xi1> to vector<1024x1xi1>
    %broadcast_in_dim3A_108 = vector.broadcast %broadcast_in_dim3A_107 : vector<1024x1xi1> to vector<1024x128xi1>
    %broadcast_in_dim3A_109 = vector.broadcast %jit3A_106 : f32 to vector<1024x128xf32>
    %select_n3A_110 = arith.select %broadcast_in_dim3A_108, %max3A_37, %broadcast_in_dim3A_109 : vector<1024x128xi1>, vector<1024x128xf32>
    %reduce_max3A_111 = arith.constant dense<0xFF800000> : vector<128xf32>
    %reduce_max3A_112 = vector.multi_reduction <maximumf>, %select_n3A_110, %reduce_max3A_111 [0] : vector<1024x128xf32> to vector<128xf32>
    %broadcast_in_dim3A_113 = vector.shape_cast %reduce_max3A_112 : vector<128xf32> to vector<1x128xf32>
    %eq3A_114 = arith.constant 7.000000e+00 : f32
    %eq3A_115 = vector.broadcast %eq3A_114 : f32 to vector<1024x1xf32>
    %eq3A_116 = arith.cmpf oeq, %get3A_40, %eq3A_115 : vector<1024x1xf32>
    %jit3A_117 = arith.constant 0.000000e+00 : f32
    %broadcast_in_dim3A_118 = vector.shape_cast %eq3A_116 : vector<1024x1xi1> to vector<1024x1xi1>
    %broadcast_in_dim3A_119 = vector.broadcast %broadcast_in_dim3A_118 : vector<1024x1xi1> to vector<1024x128xi1>
    %broadcast_in_dim3A_120 = vector.broadcast %jit3A_117 : f32 to vector<1024x128xf32>
    %select_n3A_121 = arith.select %broadcast_in_dim3A_119, %max3A_37, %broadcast_in_dim3A_120 : vector<1024x128xi1>, vector<1024x128xf32>
    %reduce_max3A_122 = arith.constant dense<0xFF800000> : vector<128xf32>
    %reduce_max3A_123 = vector.multi_reduction <maximumf>, %select_n3A_121, %reduce_max3A_122 [0] : vector<1024x128xf32> to vector<128xf32>
    %broadcast_in_dim3A_124 = vector.shape_cast %reduce_max3A_123 : vector<128xf32> to vector<1x128xf32>
    %eq3A_125 = arith.constant 8.000000e+00 : f32
    %eq3A_126 = vector.broadcast %eq3A_125 : f32 to vector<1024x1xf32>
    %eq3A_127 = arith.cmpf oeq, %get3A_40, %eq3A_126 : vector<1024x1xf32>
    %jit3A_128 = arith.constant 0.000000e+00 : f32
    %broadcast_in_dim3A_129 = vector.shape_cast %eq3A_127 : vector<1024x1xi1> to vector<1024x1xi1>
    %broadcast_in_dim3A_130 = vector.broadcast %broadcast_in_dim3A_129 : vector<1024x1xi1> to vector<1024x128xi1>
    %broadcast_in_dim3A_131 = vector.broadcast %jit3A_128 : f32 to vector<1024x128xf32>
    %select_n3A_132 = arith.select %broadcast_in_dim3A_130, %max3A_37, %broadcast_in_dim3A_131 : vector<1024x128xi1>, vector<1024x128xf32>
    %reduce_max3A_133 = arith.constant dense<0xFF800000> : vector<128xf32>
    %reduce_max3A_134 = vector.multi_reduction <maximumf>, %select_n3A_132, %reduce_max3A_133 [0] : vector<1024x128xf32> to vector<128xf32>
    %broadcast_in_dim3A_135 = vector.shape_cast %reduce_max3A_134 : vector<128xf32> to vector<1x128xf32>
    %eq3A_136 = arith.constant 9.000000e+00 : f32
    %eq3A_137 = vector.broadcast %eq3A_136 : f32 to vector<1024x1xf32>
    %eq3A_138 = arith.cmpf oeq, %get3A_40, %eq3A_137 : vector<1024x1xf32>
    %jit3A_139 = arith.constant 0.000000e+00 : f32
    %broadcast_in_dim3A_140 = vector.shape_cast %eq3A_138 : vector<1024x1xi1> to vector<1024x1xi1>
    %broadcast_in_dim3A_141 = vector.broadcast %broadcast_in_dim3A_140 : vector<1024x1xi1> to vector<1024x128xi1>
    %broadcast_in_dim3A_142 = vector.broadcast %jit3A_139 : f32 to vector<1024x128xf32>
    %select_n3A_143 = arith.select %broadcast_in_dim3A_141, %max3A_37, %broadcast_in_dim3A_142 : vector<1024x128xi1>, vector<1024x128xf32>
    %reduce_max3A_144 = arith.constant dense<0xFF800000> : vector<128xf32>
    %reduce_max3A_145 = vector.multi_reduction <maximumf>, %select_n3A_143, %reduce_max3A_144 [0] : vector<1024x128xf32> to vector<128xf32>
    %broadcast_in_dim3A_146 = vector.shape_cast %reduce_max3A_145 : vector<128xf32> to vector<1x128xf32>
    %eq3A_147 = arith.constant 1.000000e+01 : f32
    %eq3A_148 = vector.broadcast %eq3A_147 : f32 to vector<1024x1xf32>
    %eq3A_149 = arith.cmpf oeq, %get3A_40, %eq3A_148 : vector<1024x1xf32>
    %jit3A_150 = arith.constant 0.000000e+00 : f32
    %broadcast_in_dim3A_151 = vector.shape_cast %eq3A_149 : vector<1024x1xi1> to vector<1024x1xi1>
    %broadcast_in_dim3A_152 = vector.broadcast %broadcast_in_dim3A_151 : vector<1024x1xi1> to vector<1024x128xi1>
    %broadcast_in_dim3A_153 = vector.broadcast %jit3A_150 : f32 to vector<1024x128xf32>
    %select_n3A_154 = arith.select %broadcast_in_dim3A_152, %max3A_37, %broadcast_in_dim3A_153 : vector<1024x128xi1>, vector<1024x128xf32>
    %reduce_max3A_155 = arith.constant dense<0xFF800000> : vector<128xf32>
    %reduce_max3A_156 = vector.multi_reduction <maximumf>, %select_n3A_154, %reduce_max3A_155 [0] : vector<1024x128xf32> to vector<128xf32>
    %broadcast_in_dim3A_157 = vector.shape_cast %reduce_max3A_156 : vector<128xf32> to vector<1x128xf32>
    %eq3A_158 = arith.constant 1.100000e+01 : f32
    %eq3A_159 = vector.broadcast %eq3A_158 : f32 to vector<1024x1xf32>
    %eq3A_160 = arith.cmpf oeq, %get3A_40, %eq3A_159 : vector<1024x1xf32>
    %jit3A_161 = arith.constant 0.000000e+00 : f32
    %broadcast_in_dim3A_162 = vector.shape_cast %eq3A_160 : vector<1024x1xi1> to vector<1024x1xi1>
    %broadcast_in_dim3A_163 = vector.broadcast %broadcast_in_dim3A_162 : vector<1024x1xi1> to vector<1024x128xi1>
    %broadcast_in_dim3A_164 = vector.broadcast %jit3A_161 : f32 to vector<1024x128xf32>
    %select_n3A_165 = arith.select %broadcast_in_dim3A_163, %max3A_37, %broadcast_in_dim3A_164 : vector<1024x128xi1>, vector<1024x128xf32>
    %reduce_max3A_166 = arith.constant dense<0xFF800000> : vector<128xf32>
    %reduce_max3A_167 = vector.multi_reduction <maximumf>, %select_n3A_165, %reduce_max3A_166 [0] : vector<1024x128xf32> to vector<128xf32>
    %broadcast_in_dim3A_168 = vector.shape_cast %reduce_max3A_167 : vector<128xf32> to vector<1x128xf32>
    %eq3A_169 = arith.constant 1.200000e+01 : f32
    %eq3A_170 = vector.broadcast %eq3A_169 : f32 to vector<1024x1xf32>
    %eq3A_171 = arith.cmpf oeq, %get3A_40, %eq3A_170 : vector<1024x1xf32>
    %jit3A_172 = arith.constant 0.000000e+00 : f32
    %broadcast_in_dim3A_173 = vector.shape_cast %eq3A_171 : vector<1024x1xi1> to vector<1024x1xi1>
    %broadcast_in_dim3A_174 = vector.broadcast %broadcast_in_dim3A_173 : vector<1024x1xi1> to vector<1024x128xi1>
    %broadcast_in_dim3A_175 = vector.broadcast %jit3A_172 : f32 to vector<1024x128xf32>
    %select_n3A_176 = arith.select %broadcast_in_dim3A_174, %max3A_37, %broadcast_in_dim3A_175 : vector<1024x128xi1>, vector<1024x128xf32>
    %reduce_max3A_177 = arith.constant dense<0xFF800000> : vector<128xf32>
    %reduce_max3A_178 = vector.multi_reduction <maximumf>, %select_n3A_176, %reduce_max3A_177 [0] : vector<1024x128xf32> to vector<128xf32>
    %broadcast_in_dim3A_179 = vector.shape_cast %reduce_max3A_178 : vector<128xf32> to vector<1x128xf32>
    %eq3A_180 = arith.constant 1.300000e+01 : f32
    %eq3A_181 = vector.broadcast %eq3A_180 : f32 to vector<1024x1xf32>
    %eq3A_182 = arith.cmpf oeq, %get3A_40, %eq3A_181 : vector<1024x1xf32>
    %jit3A_183 = arith.constant 0.000000e+00 : f32
    %broadcast_in_dim3A_184 = vector.shape_cast %eq3A_182 : vector<1024x1xi1> to vector<1024x1xi1>
    %broadcast_in_dim3A_185 = vector.broadcast %broadcast_in_dim3A_184 : vector<1024x1xi1> to vector<1024x128xi1>
    %broadcast_in_dim3A_186 = vector.broadcast %jit3A_183 : f32 to vector<1024x128xf32>
    %select_n3A_187 = arith.select %broadcast_in_dim3A_185, %max3A_37, %broadcast_in_dim3A_186 : vector<1024x128xi1>, vector<1024x128xf32>
    %reduce_max3A_188 = arith.constant dense<0xFF800000> : vector<128xf32>
    %reduce_max3A_189 = vector.multi_reduction <maximumf>, %select_n3A_187, %reduce_max3A_188 [0] : vector<1024x128xf32> to vector<128xf32>
    %broadcast_in_dim3A_190 = vector.shape_cast %reduce_max3A_189 : vector<128xf32> to vector<1x128xf32>
    %eq3A_191 = arith.constant 1.400000e+01 : f32
    %eq3A_192 = vector.broadcast %eq3A_191 : f32 to vector<1024x1xf32>
    %eq3A_193 = arith.cmpf oeq, %get3A_40, %eq3A_192 : vector<1024x1xf32>
    %jit3A_194 = arith.constant 0.000000e+00 : f32
    %broadcast_in_dim3A_195 = vector.shape_cast %eq3A_193 : vector<1024x1xi1> to vector<1024x1xi1>
    %broadcast_in_dim3A_196 = vector.broadcast %broadcast_in_dim3A_195 : vector<1024x1xi1> to vector<1024x128xi1>
    %broadcast_in_dim3A_197 = vector.broadcast %jit3A_194 : f32 to vector<1024x128xf32>
    %select_n3A_198 = arith.select %broadcast_in_dim3A_196, %max3A_37, %broadcast_in_dim3A_197 : vector<1024x128xi1>, vector<1024x128xf32>
    %reduce_max3A_199 = arith.constant dense<0xFF800000> : vector<128xf32>
    %reduce_max3A_200 = vector.multi_reduction <maximumf>, %select_n3A_198, %reduce_max3A_199 [0] : vector<1024x128xf32> to vector<128xf32>
    %broadcast_in_dim3A_201 = vector.shape_cast %reduce_max3A_200 : vector<128xf32> to vector<1x128xf32>
    %eq3A_202 = arith.constant 1.500000e+01 : f32
    %eq3A_203 = vector.broadcast %eq3A_202 : f32 to vector<1024x1xf32>
    %eq3A_204 = arith.cmpf oeq, %get3A_40, %eq3A_203 : vector<1024x1xf32>
    %jit3A_205 = arith.constant 0.000000e+00 : f32
    %broadcast_in_dim3A_206 = vector.shape_cast %eq3A_204 : vector<1024x1xi1> to vector<1024x1xi1>
    %broadcast_in_dim3A_207 = vector.broadcast %broadcast_in_dim3A_206 : vector<1024x1xi1> to vector<1024x128xi1>
    %broadcast_in_dim3A_208 = vector.broadcast %jit3A_205 : f32 to vector<1024x128xf32>
    %select_n3A_209 = arith.select %broadcast_in_dim3A_207, %max3A_37, %broadcast_in_dim3A_208 : vector<1024x128xi1>, vector<1024x128xf32>
    %reduce_max3A_210 = arith.constant dense<0xFF800000> : vector<128xf32>
    %reduce_max3A_211 = vector.multi_reduction <maximumf>, %select_n3A_209, %reduce_max3A_210 [0] : vector<1024x128xf32> to vector<128xf32>
    %broadcast_in_dim3A_212 = vector.shape_cast %reduce_max3A_211 : vector<128xf32> to vector<1x128xf32>
    %eq3A_213 = arith.constant 1.600000e+01 : f32
    %eq3A_214 = vector.broadcast %eq3A_213 : f32 to vector<1024x1xf32>
    %eq3A_215 = arith.cmpf oeq, %get3A_40, %eq3A_214 : vector<1024x1xf32>
    %jit3A_216 = arith.constant 0.000000e+00 : f32
    %broadcast_in_dim3A_217 = vector.shape_cast %eq3A_215 : vector<1024x1xi1> to vector<1024x1xi1>
    %broadcast_in_dim3A_218 = vector.broadcast %broadcast_in_dim3A_217 : vector<1024x1xi1> to vector<1024x128xi1>
    %broadcast_in_dim3A_219 = vector.broadcast %jit3A_216 : f32 to vector<1024x128xf32>
    %select_n3A_220 = arith.select %broadcast_in_dim3A_218, %max3A_37, %broadcast_in_dim3A_219 : vector<1024x128xi1>, vector<1024x128xf32>
    %reduce_max3A_221 = arith.constant dense<0xFF800000> : vector<128xf32>
    %reduce_max3A_222 = vector.multi_reduction <maximumf>, %select_n3A_220, %reduce_max3A_221 [0] : vector<1024x128xf32> to vector<128xf32>
    %broadcast_in_dim3A_223 = vector.shape_cast %reduce_max3A_222 : vector<128xf32> to vector<1x128xf32>
    %eq3A_224 = arith.constant 1.700000e+01 : f32
    %eq3A_225 = vector.broadcast %eq3A_224 : f32 to vector<1024x1xf32>
    %eq3A_226 = arith.cmpf oeq, %get3A_40, %eq3A_225 : vector<1024x1xf32>
    %jit3A_227 = arith.constant 0.000000e+00 : f32
    %broadcast_in_dim3A_228 = vector.shape_cast %eq3A_226 : vector<1024x1xi1> to vector<1024x1xi1>
    %broadcast_in_dim3A_229 = vector.broadcast %broadcast_in_dim3A_228 : vector<1024x1xi1> to vector<1024x128xi1>
    %broadcast_in_dim3A_230 = vector.broadcast %jit3A_227 : f32 to vector<1024x128xf32>
    %select_n3A_231 = arith.select %broadcast_in_dim3A_229, %max3A_37, %broadcast_in_dim3A_230 : vector<1024x128xi1>, vector<1024x128xf32>
    %reduce_max3A_232 = arith.constant dense<0xFF800000> : vector<128xf32>
    %reduce_max3A_233 = vector.multi_reduction <maximumf>, %select_n3A_231, %reduce_max3A_232 [0] : vector<1024x128xf32> to vector<128xf32>
    %broadcast_in_dim3A_234 = vector.shape_cast %reduce_max3A_233 : vector<128xf32> to vector<1x128xf32>
    %eq3A_235 = arith.constant 1.800000e+01 : f32
    %eq3A_236 = vector.broadcast %eq3A_235 : f32 to vector<1024x1xf32>
    %eq3A_237 = arith.cmpf oeq, %get3A_40, %eq3A_236 : vector<1024x1xf32>
    %jit3A_238 = arith.constant 0.000000e+00 : f32
    %broadcast_in_dim3A_239 = vector.shape_cast %eq3A_237 : vector<1024x1xi1> to vector<1024x1xi1>
    %broadcast_in_dim3A_240 = vector.broadcast %broadcast_in_dim3A_239 : vector<1024x1xi1> to vector<1024x128xi1>
    %broadcast_in_dim3A_241 = vector.broadcast %jit3A_238 : f32 to vector<1024x128xf32>
    %select_n3A_242 = arith.select %broadcast_in_dim3A_240, %max3A_37, %broadcast_in_dim3A_241 : vector<1024x128xi1>, vector<1024x128xf32>
    %reduce_max3A_243 = arith.constant dense<0xFF800000> : vector<128xf32>
    %reduce_max3A_244 = vector.multi_reduction <maximumf>, %select_n3A_242, %reduce_max3A_243 [0] : vector<1024x128xf32> to vector<128xf32>
    %broadcast_in_dim3A_245 = vector.shape_cast %reduce_max3A_244 : vector<128xf32> to vector<1x128xf32>
    %eq3A_246 = arith.constant 1.900000e+01 : f32
    %eq3A_247 = vector.broadcast %eq3A_246 : f32 to vector<1024x1xf32>
    %eq3A_248 = arith.cmpf oeq, %get3A_40, %eq3A_247 : vector<1024x1xf32>
    %jit3A_249 = arith.constant 0.000000e+00 : f32
    %broadcast_in_dim3A_250 = vector.shape_cast %eq3A_248 : vector<1024x1xi1> to vector<1024x1xi1>
    %broadcast_in_dim3A_251 = vector.broadcast %broadcast_in_dim3A_250 : vector<1024x1xi1> to vector<1024x128xi1>
    %broadcast_in_dim3A_252 = vector.broadcast %jit3A_249 : f32 to vector<1024x128xf32>
    %select_n3A_253 = arith.select %broadcast_in_dim3A_251, %max3A_37, %broadcast_in_dim3A_252 : vector<1024x128xi1>, vector<1024x128xf32>
    %reduce_max3A_254 = arith.constant dense<0xFF800000> : vector<128xf32>
    %reduce_max3A_255 = vector.multi_reduction <maximumf>, %select_n3A_253, %reduce_max3A_254 [0] : vector<1024x128xf32> to vector<128xf32>
    %broadcast_in_dim3A_256 = vector.shape_cast %reduce_max3A_255 : vector<128xf32> to vector<1x128xf32>
    %eq3A_257 = arith.constant 2.000000e+01 : f32
    %eq3A_258 = vector.broadcast %eq3A_257 : f32 to vector<1024x1xf32>
    %eq3A_259 = arith.cmpf oeq, %get3A_40, %eq3A_258 : vector<1024x1xf32>
    %jit3A_260 = arith.constant 0.000000e+00 : f32
    %broadcast_in_dim3A_261 = vector.shape_cast %eq3A_259 : vector<1024x1xi1> to vector<1024x1xi1>
    %broadcast_in_dim3A_262 = vector.broadcast %broadcast_in_dim3A_261 : vector<1024x1xi1> to vector<1024x128xi1>
    %broadcast_in_dim3A_263 = vector.broadcast %jit3A_260 : f32 to vector<1024x128xf32>
    %select_n3A_264 = arith.select %broadcast_in_dim3A_262, %max3A_37, %broadcast_in_dim3A_263 : vector<1024x128xi1>, vector<1024x128xf32>
    %reduce_max3A_265 = arith.constant dense<0xFF800000> : vector<128xf32>
    %reduce_max3A_266 = vector.multi_reduction <maximumf>, %select_n3A_264, %reduce_max3A_265 [0] : vector<1024x128xf32> to vector<128xf32>
    %broadcast_in_dim3A_267 = vector.shape_cast %reduce_max3A_266 : vector<128xf32> to vector<1x128xf32>
    %eq3A_268 = arith.constant 2.100000e+01 : f32
    %eq3A_269 = vector.broadcast %eq3A_268 : f32 to vector<1024x1xf32>
    %eq3A_270 = arith.cmpf oeq, %get3A_40, %eq3A_269 : vector<1024x1xf32>
    %jit3A_271 = arith.constant 0.000000e+00 : f32
    %broadcast_in_dim3A_272 = vector.shape_cast %eq3A_270 : vector<1024x1xi1> to vector<1024x1xi1>
    %broadcast_in_dim3A_273 = vector.broadcast %broadcast_in_dim3A_272 : vector<1024x1xi1> to vector<1024x128xi1>
    %broadcast_in_dim3A_274 = vector.broadcast %jit3A_271 : f32 to vector<1024x128xf32>
    %select_n3A_275 = arith.select %broadcast_in_dim3A_273, %max3A_37, %broadcast_in_dim3A_274 : vector<1024x128xi1>, vector<1024x128xf32>
    %reduce_max3A_276 = arith.constant dense<0xFF800000> : vector<128xf32>
    %reduce_max3A_277 = vector.multi_reduction <maximumf>, %select_n3A_275, %reduce_max3A_276 [0] : vector<1024x128xf32> to vector<128xf32>
    %broadcast_in_dim3A_278 = vector.shape_cast %reduce_max3A_277 : vector<128xf32> to vector<1x128xf32>
    %eq3A_279 = arith.constant 2.200000e+01 : f32
    %eq3A_280 = vector.broadcast %eq3A_279 : f32 to vector<1024x1xf32>
    %eq3A_281 = arith.cmpf oeq, %get3A_40, %eq3A_280 : vector<1024x1xf32>
    %jit3A_282 = arith.constant 0.000000e+00 : f32
    %broadcast_in_dim3A_283 = vector.shape_cast %eq3A_281 : vector<1024x1xi1> to vector<1024x1xi1>
    %broadcast_in_dim3A_284 = vector.broadcast %broadcast_in_dim3A_283 : vector<1024x1xi1> to vector<1024x128xi1>
    %broadcast_in_dim3A_285 = vector.broadcast %jit3A_282 : f32 to vector<1024x128xf32>
    %select_n3A_286 = arith.select %broadcast_in_dim3A_284, %max3A_37, %broadcast_in_dim3A_285 : vector<1024x128xi1>, vector<1024x128xf32>
    %reduce_max3A_287 = arith.constant dense<0xFF800000> : vector<128xf32>
    %reduce_max3A_288 = vector.multi_reduction <maximumf>, %select_n3A_286, %reduce_max3A_287 [0] : vector<1024x128xf32> to vector<128xf32>
    %broadcast_in_dim3A_289 = vector.shape_cast %reduce_max3A_288 : vector<128xf32> to vector<1x128xf32>
    %eq3A_290 = arith.constant 2.300000e+01 : f32
    %eq3A_291 = vector.broadcast %eq3A_290 : f32 to vector<1024x1xf32>
    %eq3A_292 = arith.cmpf oeq, %get3A_40, %eq3A_291 : vector<1024x1xf32>
    %jit3A_293 = arith.constant 0.000000e+00 : f32
    %broadcast_in_dim3A_294 = vector.shape_cast %eq3A_292 : vector<1024x1xi1> to vector<1024x1xi1>
    %broadcast_in_dim3A_295 = vector.broadcast %broadcast_in_dim3A_294 : vector<1024x1xi1> to vector<1024x128xi1>
    %broadcast_in_dim3A_296 = vector.broadcast %jit3A_293 : f32 to vector<1024x128xf32>
    %select_n3A_297 = arith.select %broadcast_in_dim3A_295, %max3A_37, %broadcast_in_dim3A_296 : vector<1024x128xi1>, vector<1024x128xf32>
    %reduce_max3A_298 = arith.constant dense<0xFF800000> : vector<128xf32>
    %reduce_max3A_299 = vector.multi_reduction <maximumf>, %select_n3A_297, %reduce_max3A_298 [0] : vector<1024x128xf32> to vector<128xf32>
    %broadcast_in_dim3A_300 = vector.shape_cast %reduce_max3A_299 : vector<128xf32> to vector<1x128xf32>
    %eq3A_301 = arith.constant 2.400000e+01 : f32
    %eq3A_302 = vector.broadcast %eq3A_301 : f32 to vector<1024x1xf32>
    %eq3A_303 = arith.cmpf oeq, %get3A_40, %eq3A_302 : vector<1024x1xf32>
    %jit3A_304 = arith.constant 0.000000e+00 : f32
    %broadcast_in_dim3A_305 = vector.shape_cast %eq3A_303 : vector<1024x1xi1> to vector<1024x1xi1>
    %broadcast_in_dim3A_306 = vector.broadcast %broadcast_in_dim3A_305 : vector<1024x1xi1> to vector<1024x128xi1>
    %broadcast_in_dim3A_307 = vector.broadcast %jit3A_304 : f32 to vector<1024x128xf32>
    %select_n3A_308 = arith.select %broadcast_in_dim3A_306, %max3A_37, %broadcast_in_dim3A_307 : vector<1024x128xi1>, vector<1024x128xf32>
    %reduce_max3A_309 = arith.constant dense<0xFF800000> : vector<128xf32>
    %reduce_max3A_310 = vector.multi_reduction <maximumf>, %select_n3A_308, %reduce_max3A_309 [0] : vector<1024x128xf32> to vector<128xf32>
    %broadcast_in_dim3A_311 = vector.shape_cast %reduce_max3A_310 : vector<128xf32> to vector<1x128xf32>
    %eq3A_312 = arith.constant 2.500000e+01 : f32
    %eq3A_313 = vector.broadcast %eq3A_312 : f32 to vector<1024x1xf32>
    %eq3A_314 = arith.cmpf oeq, %get3A_40, %eq3A_313 : vector<1024x1xf32>
    %jit3A_315 = arith.constant 0.000000e+00 : f32
    %broadcast_in_dim3A_316 = vector.shape_cast %eq3A_314 : vector<1024x1xi1> to vector<1024x1xi1>
    %broadcast_in_dim3A_317 = vector.broadcast %broadcast_in_dim3A_316 : vector<1024x1xi1> to vector<1024x128xi1>
    %broadcast_in_dim3A_318 = vector.broadcast %jit3A_315 : f32 to vector<1024x128xf32>
    %select_n3A_319 = arith.select %broadcast_in_dim3A_317, %max3A_37, %broadcast_in_dim3A_318 : vector<1024x128xi1>, vector<1024x128xf32>
    %reduce_max3A_320 = arith.constant dense<0xFF800000> : vector<128xf32>
    %reduce_max3A_321 = vector.multi_reduction <maximumf>, %select_n3A_319, %reduce_max3A_320 [0] : vector<1024x128xf32> to vector<128xf32>
    %broadcast_in_dim3A_322 = vector.shape_cast %reduce_max3A_321 : vector<128xf32> to vector<1x128xf32>
    %eq3A_323 = arith.constant 2.600000e+01 : f32
    %eq3A_324 = vector.broadcast %eq3A_323 : f32 to vector<1024x1xf32>
    %eq3A_325 = arith.cmpf oeq, %get3A_40, %eq3A_324 : vector<1024x1xf32>
    %jit3A_326 = arith.constant 0.000000e+00 : f32
    %broadcast_in_dim3A_327 = vector.shape_cast %eq3A_325 : vector<1024x1xi1> to vector<1024x1xi1>
    %broadcast_in_dim3A_328 = vector.broadcast %broadcast_in_dim3A_327 : vector<1024x1xi1> to vector<1024x128xi1>
    %broadcast_in_dim3A_329 = vector.broadcast %jit3A_326 : f32 to vector<1024x128xf32>
    %select_n3A_330 = arith.select %broadcast_in_dim3A_328, %max3A_37, %broadcast_in_dim3A_329 : vector<1024x128xi1>, vector<1024x128xf32>
    %reduce_max3A_331 = arith.constant dense<0xFF800000> : vector<128xf32>
    %reduce_max3A_332 = vector.multi_reduction <maximumf>, %select_n3A_330, %reduce_max3A_331 [0] : vector<1024x128xf32> to vector<128xf32>
    %broadcast_in_dim3A_333 = vector.shape_cast %reduce_max3A_332 : vector<128xf32> to vector<1x128xf32>
    %eq3A_334 = arith.constant 2.700000e+01 : f32
    %eq3A_335 = vector.broadcast %eq3A_334 : f32 to vector<1024x1xf32>
    %eq3A_336 = arith.cmpf oeq, %get3A_40, %eq3A_335 : vector<1024x1xf32>
    %jit3A_337 = arith.constant 0.000000e+00 : f32
    %broadcast_in_dim3A_338 = vector.shape_cast %eq3A_336 : vector<1024x1xi1> to vector<1024x1xi1>
    %broadcast_in_dim3A_339 = vector.broadcast %broadcast_in_dim3A_338 : vector<1024x1xi1> to vector<1024x128xi1>
    %broadcast_in_dim3A_340 = vector.broadcast %jit3A_337 : f32 to vector<1024x128xf32>
    %select_n3A_341 = arith.select %broadcast_in_dim3A_339, %max3A_37, %broadcast_in_dim3A_340 : vector<1024x128xi1>, vector<1024x128xf32>
    %reduce_max3A_342 = arith.constant dense<0xFF800000> : vector<128xf32>
    %reduce_max3A_343 = vector.multi_reduction <maximumf>, %select_n3A_341, %reduce_max3A_342 [0] : vector<1024x128xf32> to vector<128xf32>
    %broadcast_in_dim3A_344 = vector.shape_cast %reduce_max3A_343 : vector<128xf32> to vector<1x128xf32>
    %eq3A_345 = arith.constant 2.800000e+01 : f32
    %eq3A_346 = vector.broadcast %eq3A_345 : f32 to vector<1024x1xf32>
    %eq3A_347 = arith.cmpf oeq, %get3A_40, %eq3A_346 : vector<1024x1xf32>
    %jit3A_348 = arith.constant 0.000000e+00 : f32
    %broadcast_in_dim3A_349 = vector.shape_cast %eq3A_347 : vector<1024x1xi1> to vector<1024x1xi1>
    %broadcast_in_dim3A_350 = vector.broadcast %broadcast_in_dim3A_349 : vector<1024x1xi1> to vector<1024x128xi1>
    %broadcast_in_dim3A_351 = vector.broadcast %jit3A_348 : f32 to vector<1024x128xf32>
    %select_n3A_352 = arith.select %broadcast_in_dim3A_350, %max3A_37, %broadcast_in_dim3A_351 : vector<1024x128xi1>, vector<1024x128xf32>
    %reduce_max3A_353 = arith.constant dense<0xFF800000> : vector<128xf32>
    %reduce_max3A_354 = vector.multi_reduction <maximumf>, %select_n3A_352, %reduce_max3A_353 [0] : vector<1024x128xf32> to vector<128xf32>
    %broadcast_in_dim3A_355 = vector.shape_cast %reduce_max3A_354 : vector<128xf32> to vector<1x128xf32>
    %eq3A_356 = arith.constant 2.900000e+01 : f32
    %eq3A_357 = vector.broadcast %eq3A_356 : f32 to vector<1024x1xf32>
    %eq3A_358 = arith.cmpf oeq, %get3A_40, %eq3A_357 : vector<1024x1xf32>
    %jit3A_359 = arith.constant 0.000000e+00 : f32
    %broadcast_in_dim3A_360 = vector.shape_cast %eq3A_358 : vector<1024x1xi1> to vector<1024x1xi1>
    %broadcast_in_dim3A_361 = vector.broadcast %broadcast_in_dim3A_360 : vector<1024x1xi1> to vector<1024x128xi1>
    %broadcast_in_dim3A_362 = vector.broadcast %jit3A_359 : f32 to vector<1024x128xf32>
    %select_n3A_363 = arith.select %broadcast_in_dim3A_361, %max3A_37, %broadcast_in_dim3A_362 : vector<1024x128xi1>, vector<1024x128xf32>
    %reduce_max3A_364 = arith.constant dense<0xFF800000> : vector<128xf32>
    %reduce_max3A_365 = vector.multi_reduction <maximumf>, %select_n3A_363, %reduce_max3A_364 [0] : vector<1024x128xf32> to vector<128xf32>
    %broadcast_in_dim3A_366 = vector.shape_cast %reduce_max3A_365 : vector<128xf32> to vector<1x128xf32>
    %eq3A_367 = arith.constant 3.000000e+01 : f32
    %eq3A_368 = vector.broadcast %eq3A_367 : f32 to vector<1024x1xf32>
    %eq3A_369 = arith.cmpf oeq, %get3A_40, %eq3A_368 : vector<1024x1xf32>
    %jit3A_370 = arith.constant 0.000000e+00 : f32
    %broadcast_in_dim3A_371 = vector.shape_cast %eq3A_369 : vector<1024x1xi1> to vector<1024x1xi1>
    %broadcast_in_dim3A_372 = vector.broadcast %broadcast_in_dim3A_371 : vector<1024x1xi1> to vector<1024x128xi1>
    %broadcast_in_dim3A_373 = vector.broadcast %jit3A_370 : f32 to vector<1024x128xf32>
    %select_n3A_374 = arith.select %broadcast_in_dim3A_372, %max3A_37, %broadcast_in_dim3A_373 : vector<1024x128xi1>, vector<1024x128xf32>
    %reduce_max3A_375 = arith.constant dense<0xFF800000> : vector<128xf32>
    %reduce_max3A_376 = vector.multi_reduction <maximumf>, %select_n3A_374, %reduce_max3A_375 [0] : vector<1024x128xf32> to vector<128xf32>
    %broadcast_in_dim3A_377 = vector.shape_cast %reduce_max3A_376 : vector<128xf32> to vector<1x128xf32>
    %eq3A_378 = arith.constant 3.100000e+01 : f32
    %eq3A_379 = vector.broadcast %eq3A_378 : f32 to vector<1024x1xf32>
    %eq3A_380 = arith.cmpf oeq, %get3A_40, %eq3A_379 : vector<1024x1xf32>
    %jit3A_381 = arith.constant 0.000000e+00 : f32
    %broadcast_in_dim3A_382 = vector.shape_cast %eq3A_380 : vector<1024x1xi1> to vector<1024x1xi1>
    %broadcast_in_dim3A_383 = vector.broadcast %broadcast_in_dim3A_382 : vector<1024x1xi1> to vector<1024x128xi1>
    %broadcast_in_dim3A_384 = vector.broadcast %jit3A_381 : f32 to vector<1024x128xf32>
    %select_n3A_385 = arith.select %broadcast_in_dim3A_383, %max3A_37, %broadcast_in_dim3A_384 : vector<1024x128xi1>, vector<1024x128xf32>
    %reduce_max3A_386 = arith.constant dense<0xFF800000> : vector<128xf32>
    %reduce_max3A_387 = vector.multi_reduction <maximumf>, %select_n3A_385, %reduce_max3A_386 [0] : vector<1024x128xf32> to vector<128xf32>
    %broadcast_in_dim3A_388 = vector.shape_cast %reduce_max3A_387 : vector<128xf32> to vector<1x128xf32>
    %eq3A_389 = arith.constant 3.200000e+01 : f32
    %eq3A_390 = vector.broadcast %eq3A_389 : f32 to vector<1024x1xf32>
    %eq3A_391 = arith.cmpf oeq, %get3A_40, %eq3A_390 : vector<1024x1xf32>
    %jit3A_392 = arith.constant 0.000000e+00 : f32
    %broadcast_in_dim3A_393 = vector.shape_cast %eq3A_391 : vector<1024x1xi1> to vector<1024x1xi1>
    %broadcast_in_dim3A_394 = vector.broadcast %broadcast_in_dim3A_393 : vector<1024x1xi1> to vector<1024x128xi1>
    %broadcast_in_dim3A_395 = vector.broadcast %jit3A_392 : f32 to vector<1024x128xf32>
    %select_n3A_396 = arith.select %broadcast_in_dim3A_394, %max3A_37, %broadcast_in_dim3A_395 : vector<1024x128xi1>, vector<1024x128xf32>
    %reduce_max3A_397 = arith.constant dense<0xFF800000> : vector<128xf32>
    %reduce_max3A_398 = vector.multi_reduction <maximumf>, %select_n3A_396, %reduce_max3A_397 [0] : vector<1024x128xf32> to vector<128xf32>
    %broadcast_in_dim3A_399 = vector.shape_cast %reduce_max3A_398 : vector<128xf32> to vector<1x128xf32>
    %eq3A_400 = arith.constant 3.300000e+01 : f32
    %eq3A_401 = vector.broadcast %eq3A_400 : f32 to vector<1024x1xf32>
    %eq3A_402 = arith.cmpf oeq, %get3A_40, %eq3A_401 : vector<1024x1xf32>
    %jit3A_403 = arith.constant 0.000000e+00 : f32
    %broadcast_in_dim3A_404 = vector.shape_cast %eq3A_402 : vector<1024x1xi1> to vector<1024x1xi1>
    %broadcast_in_dim3A_405 = vector.broadcast %broadcast_in_dim3A_404 : vector<1024x1xi1> to vector<1024x128xi1>
    %broadcast_in_dim3A_406 = vector.broadcast %jit3A_403 : f32 to vector<1024x128xf32>
    %select_n3A_407 = arith.select %broadcast_in_dim3A_405, %max3A_37, %broadcast_in_dim3A_406 : vector<1024x128xi1>, vector<1024x128xf32>
    %reduce_max3A_408 = arith.constant dense<0xFF800000> : vector<128xf32>
    %reduce_max3A_409 = vector.multi_reduction <maximumf>, %select_n3A_407, %reduce_max3A_408 [0] : vector<1024x128xf32> to vector<128xf32>
    %broadcast_in_dim3A_410 = vector.shape_cast %reduce_max3A_409 : vector<128xf32> to vector<1x128xf32>
    %eq3A_411 = arith.constant 3.400000e+01 : f32
    %eq3A_412 = vector.broadcast %eq3A_411 : f32 to vector<1024x1xf32>
    %eq3A_413 = arith.cmpf oeq, %get3A_40, %eq3A_412 : vector<1024x1xf32>
    %jit3A_414 = arith.constant 0.000000e+00 : f32
    %broadcast_in_dim3A_415 = vector.shape_cast %eq3A_413 : vector<1024x1xi1> to vector<1024x1xi1>
    %broadcast_in_dim3A_416 = vector.broadcast %broadcast_in_dim3A_415 : vector<1024x1xi1> to vector<1024x128xi1>
    %broadcast_in_dim3A_417 = vector.broadcast %jit3A_414 : f32 to vector<1024x128xf32>
    %select_n3A_418 = arith.select %broadcast_in_dim3A_416, %max3A_37, %broadcast_in_dim3A_417 : vector<1024x128xi1>, vector<1024x128xf32>
    %reduce_max3A_419 = arith.constant dense<0xFF800000> : vector<128xf32>
    %reduce_max3A_420 = vector.multi_reduction <maximumf>, %select_n3A_418, %reduce_max3A_419 [0] : vector<1024x128xf32> to vector<128xf32>
    %broadcast_in_dim3A_421 = vector.shape_cast %reduce_max3A_420 : vector<128xf32> to vector<1x128xf32>
    %eq3A_422 = arith.constant 3.500000e+01 : f32
    %eq3A_423 = vector.broadcast %eq3A_422 : f32 to vector<1024x1xf32>
    %eq3A_424 = arith.cmpf oeq, %get3A_40, %eq3A_423 : vector<1024x1xf32>
    %jit3A_425 = arith.constant 0.000000e+00 : f32
    %broadcast_in_dim3A_426 = vector.shape_cast %eq3A_424 : vector<1024x1xi1> to vector<1024x1xi1>
    %broadcast_in_dim3A_427 = vector.broadcast %broadcast_in_dim3A_426 : vector<1024x1xi1> to vector<1024x128xi1>
    %broadcast_in_dim3A_428 = vector.broadcast %jit3A_425 : f32 to vector<1024x128xf32>
    %select_n3A_429 = arith.select %broadcast_in_dim3A_427, %max3A_37, %broadcast_in_dim3A_428 : vector<1024x128xi1>, vector<1024x128xf32>
    %reduce_max3A_430 = arith.constant dense<0xFF800000> : vector<128xf32>
    %reduce_max3A_431 = vector.multi_reduction <maximumf>, %select_n3A_429, %reduce_max3A_430 [0] : vector<1024x128xf32> to vector<128xf32>
    %broadcast_in_dim3A_432 = vector.shape_cast %reduce_max3A_431 : vector<128xf32> to vector<1x128xf32>
    %eq3A_433 = arith.constant 3.600000e+01 : f32
    %eq3A_434 = vector.broadcast %eq3A_433 : f32 to vector<1024x1xf32>
    %eq3A_435 = arith.cmpf oeq, %get3A_40, %eq3A_434 : vector<1024x1xf32>
    %jit3A_436 = arith.constant 0.000000e+00 : f32
    %broadcast_in_dim3A_437 = vector.shape_cast %eq3A_435 : vector<1024x1xi1> to vector<1024x1xi1>
    %broadcast_in_dim3A_438 = vector.broadcast %broadcast_in_dim3A_437 : vector<1024x1xi1> to vector<1024x128xi1>
    %broadcast_in_dim3A_439 = vector.broadcast %jit3A_436 : f32 to vector<1024x128xf32>
    %select_n3A_440 = arith.select %broadcast_in_dim3A_438, %max3A_37, %broadcast_in_dim3A_439 : vector<1024x128xi1>, vector<1024x128xf32>
    %reduce_max3A_441 = arith.constant dense<0xFF800000> : vector<128xf32>
    %reduce_max3A_442 = vector.multi_reduction <maximumf>, %select_n3A_440, %reduce_max3A_441 [0] : vector<1024x128xf32> to vector<128xf32>
    %broadcast_in_dim3A_443 = vector.shape_cast %reduce_max3A_442 : vector<128xf32> to vector<1x128xf32>
    %eq3A_444 = arith.constant 3.700000e+01 : f32
    %eq3A_445 = vector.broadcast %eq3A_444 : f32 to vector<1024x1xf32>
    %eq3A_446 = arith.cmpf oeq, %get3A_40, %eq3A_445 : vector<1024x1xf32>
    %jit3A_447 = arith.constant 0.000000e+00 : f32
    %broadcast_in_dim3A_448 = vector.shape_cast %eq3A_446 : vector<1024x1xi1> to vector<1024x1xi1>
    %broadcast_in_dim3A_449 = vector.broadcast %broadcast_in_dim3A_448 : vector<1024x1xi1> to vector<1024x128xi1>
    %broadcast_in_dim3A_450 = vector.broadcast %jit3A_447 : f32 to vector<1024x128xf32>
    %select_n3A_451 = arith.select %broadcast_in_dim3A_449, %max3A_37, %broadcast_in_dim3A_450 : vector<1024x128xi1>, vector<1024x128xf32>
    %reduce_max3A_452 = arith.constant dense<0xFF800000> : vector<128xf32>
    %reduce_max3A_453 = vector.multi_reduction <maximumf>, %select_n3A_451, %reduce_max3A_452 [0] : vector<1024x128xf32> to vector<128xf32>
    %broadcast_in_dim3A_454 = vector.shape_cast %reduce_max3A_453 : vector<128xf32> to vector<1x128xf32>
    %eq3A_455 = arith.constant 3.800000e+01 : f32
    %eq3A_456 = vector.broadcast %eq3A_455 : f32 to vector<1024x1xf32>
    %eq3A_457 = arith.cmpf oeq, %get3A_40, %eq3A_456 : vector<1024x1xf32>
    %jit3A_458 = arith.constant 0.000000e+00 : f32
    %broadcast_in_dim3A_459 = vector.shape_cast %eq3A_457 : vector<1024x1xi1> to vector<1024x1xi1>
    %broadcast_in_dim3A_460 = vector.broadcast %broadcast_in_dim3A_459 : vector<1024x1xi1> to vector<1024x128xi1>
    %broadcast_in_dim3A_461 = vector.broadcast %jit3A_458 : f32 to vector<1024x128xf32>
    %select_n3A_462 = arith.select %broadcast_in_dim3A_460, %max3A_37, %broadcast_in_dim3A_461 : vector<1024x128xi1>, vector<1024x128xf32>
    %reduce_max3A_463 = arith.constant dense<0xFF800000> : vector<128xf32>
    %reduce_max3A_464 = vector.multi_reduction <maximumf>, %select_n3A_462, %reduce_max3A_463 [0] : vector<1024x128xf32> to vector<128xf32>
    %broadcast_in_dim3A_465 = vector.shape_cast %reduce_max3A_464 : vector<128xf32> to vector<1x128xf32>
    %eq3A_466 = arith.constant 3.900000e+01 : f32
    %eq3A_467 = vector.broadcast %eq3A_466 : f32 to vector<1024x1xf32>
    %eq3A_468 = arith.cmpf oeq, %get3A_40, %eq3A_467 : vector<1024x1xf32>
    %jit3A_469 = arith.constant 0.000000e+00 : f32
    %broadcast_in_dim3A_470 = vector.shape_cast %eq3A_468 : vector<1024x1xi1> to vector<1024x1xi1>
    %broadcast_in_dim3A_471 = vector.broadcast %broadcast_in_dim3A_470 : vector<1024x1xi1> to vector<1024x128xi1>
    %broadcast_in_dim3A_472 = vector.broadcast %jit3A_469 : f32 to vector<1024x128xf32>
    %select_n3A_473 = arith.select %broadcast_in_dim3A_471, %max3A_37, %broadcast_in_dim3A_472 : vector<1024x128xi1>, vector<1024x128xf32>
    %reduce_max3A_474 = arith.constant dense<0xFF800000> : vector<128xf32>
    %reduce_max3A_475 = vector.multi_reduction <maximumf>, %select_n3A_473, %reduce_max3A_474 [0] : vector<1024x128xf32> to vector<128xf32>
    %broadcast_in_dim3A_476 = vector.shape_cast %reduce_max3A_475 : vector<128xf32> to vector<1x128xf32>
    %eq3A_477 = arith.constant 4.000000e+01 : f32
    %eq3A_478 = vector.broadcast %eq3A_477 : f32 to vector<1024x1xf32>
    %eq3A_479 = arith.cmpf oeq, %get3A_40, %eq3A_478 : vector<1024x1xf32>
    %jit3A_480 = arith.constant 0.000000e+00 : f32
    %broadcast_in_dim3A_481 = vector.shape_cast %eq3A_479 : vector<1024x1xi1> to vector<1024x1xi1>
    %broadcast_in_dim3A_482 = vector.broadcast %broadcast_in_dim3A_481 : vector<1024x1xi1> to vector<1024x128xi1>
    %broadcast_in_dim3A_483 = vector.broadcast %jit3A_480 : f32 to vector<1024x128xf32>
    %select_n3A_484 = arith.select %broadcast_in_dim3A_482, %max3A_37, %broadcast_in_dim3A_483 : vector<1024x128xi1>, vector<1024x128xf32>
    %reduce_max3A_485 = arith.constant dense<0xFF800000> : vector<128xf32>
    %reduce_max3A_486 = vector.multi_reduction <maximumf>, %select_n3A_484, %reduce_max3A_485 [0] : vector<1024x128xf32> to vector<128xf32>
    %broadcast_in_dim3A_487 = vector.shape_cast %reduce_max3A_486 : vector<128xf32> to vector<1x128xf32>
    %eq3A_488 = arith.constant 4.100000e+01 : f32
    %eq3A_489 = vector.broadcast %eq3A_488 : f32 to vector<1024x1xf32>
    %eq3A_490 = arith.cmpf oeq, %get3A_40, %eq3A_489 : vector<1024x1xf32>
    %jit3A_491 = arith.constant 0.000000e+00 : f32
    %broadcast_in_dim3A_492 = vector.shape_cast %eq3A_490 : vector<1024x1xi1> to vector<1024x1xi1>
    %broadcast_in_dim3A_493 = vector.broadcast %broadcast_in_dim3A_492 : vector<1024x1xi1> to vector<1024x128xi1>
    %broadcast_in_dim3A_494 = vector.broadcast %jit3A_491 : f32 to vector<1024x128xf32>
    %select_n3A_495 = arith.select %broadcast_in_dim3A_493, %max3A_37, %broadcast_in_dim3A_494 : vector<1024x128xi1>, vector<1024x128xf32>
    %reduce_max3A_496 = arith.constant dense<0xFF800000> : vector<128xf32>
    %reduce_max3A_497 = vector.multi_reduction <maximumf>, %select_n3A_495, %reduce_max3A_496 [0] : vector<1024x128xf32> to vector<128xf32>
    %broadcast_in_dim3A_498 = vector.shape_cast %reduce_max3A_497 : vector<128xf32> to vector<1x128xf32>
    %eq3A_499 = arith.constant 4.200000e+01 : f32
    %eq3A_500 = vector.broadcast %eq3A_499 : f32 to vector<1024x1xf32>
    %eq3A_501 = arith.cmpf oeq, %get3A_40, %eq3A_500 : vector<1024x1xf32>
    %jit3A_502 = arith.constant 0.000000e+00 : f32
    %broadcast_in_dim3A_503 = vector.shape_cast %eq3A_501 : vector<1024x1xi1> to vector<1024x1xi1>
    %broadcast_in_dim3A_504 = vector.broadcast %broadcast_in_dim3A_503 : vector<1024x1xi1> to vector<1024x128xi1>
    %broadcast_in_dim3A_505 = vector.broadcast %jit3A_502 : f32 to vector<1024x128xf32>
    %select_n3A_506 = arith.select %broadcast_in_dim3A_504, %max3A_37, %broadcast_in_dim3A_505 : vector<1024x128xi1>, vector<1024x128xf32>
    %reduce_max3A_507 = arith.constant dense<0xFF800000> : vector<128xf32>
    %reduce_max3A_508 = vector.multi_reduction <maximumf>, %select_n3A_506, %reduce_max3A_507 [0] : vector<1024x128xf32> to vector<128xf32>
    %broadcast_in_dim3A_509 = vector.shape_cast %reduce_max3A_508 : vector<128xf32> to vector<1x128xf32>
    %eq3A_510 = arith.constant 4.300000e+01 : f32
    %eq3A_511 = vector.broadcast %eq3A_510 : f32 to vector<1024x1xf32>
    %eq3A_512 = arith.cmpf oeq, %get3A_40, %eq3A_511 : vector<1024x1xf32>
    %jit3A_513 = arith.constant 0.000000e+00 : f32
    %broadcast_in_dim3A_514 = vector.shape_cast %eq3A_512 : vector<1024x1xi1> to vector<1024x1xi1>
    %broadcast_in_dim3A_515 = vector.broadcast %broadcast_in_dim3A_514 : vector<1024x1xi1> to vector<1024x128xi1>
    %broadcast_in_dim3A_516 = vector.broadcast %jit3A_513 : f32 to vector<1024x128xf32>
    %select_n3A_517 = arith.select %broadcast_in_dim3A_515, %max3A_37, %broadcast_in_dim3A_516 : vector<1024x128xi1>, vector<1024x128xf32>
    %reduce_max3A_518 = arith.constant dense<0xFF800000> : vector<128xf32>
    %reduce_max3A_519 = vector.multi_reduction <maximumf>, %select_n3A_517, %reduce_max3A_518 [0] : vector<1024x128xf32> to vector<128xf32>
    %broadcast_in_dim3A_520 = vector.shape_cast %reduce_max3A_519 : vector<128xf32> to vector<1x128xf32>
    %eq3A_521 = arith.constant 4.400000e+01 : f32
    %eq3A_522 = vector.broadcast %eq3A_521 : f32 to vector<1024x1xf32>
    %eq3A_523 = arith.cmpf oeq, %get3A_40, %eq3A_522 : vector<1024x1xf32>
    %jit3A_524 = arith.constant 0.000000e+00 : f32
    %broadcast_in_dim3A_525 = vector.shape_cast %eq3A_523 : vector<1024x1xi1> to vector<1024x1xi1>
    %broadcast_in_dim3A_526 = vector.broadcast %broadcast_in_dim3A_525 : vector<1024x1xi1> to vector<1024x128xi1>
    %broadcast_in_dim3A_527 = vector.broadcast %jit3A_524 : f32 to vector<1024x128xf32>
    %select_n3A_528 = arith.select %broadcast_in_dim3A_526, %max3A_37, %broadcast_in_dim3A_527 : vector<1024x128xi1>, vector<1024x128xf32>
    %reduce_max3A_529 = arith.constant dense<0xFF800000> : vector<128xf32>
    %reduce_max3A_530 = vector.multi_reduction <maximumf>, %select_n3A_528, %reduce_max3A_529 [0] : vector<1024x128xf32> to vector<128xf32>
    %broadcast_in_dim3A_531 = vector.shape_cast %reduce_max3A_530 : vector<128xf32> to vector<1x128xf32>
    %eq3A_532 = arith.constant 4.500000e+01 : f32
    %eq3A_533 = vector.broadcast %eq3A_532 : f32 to vector<1024x1xf32>
    %eq3A_534 = arith.cmpf oeq, %get3A_40, %eq3A_533 : vector<1024x1xf32>
    %jit3A_535 = arith.constant 0.000000e+00 : f32
    %broadcast_in_dim3A_536 = vector.shape_cast %eq3A_534 : vector<1024x1xi1> to vector<1024x1xi1>
    %broadcast_in_dim3A_537 = vector.broadcast %broadcast_in_dim3A_536 : vector<1024x1xi1> to vector<1024x128xi1>
    %broadcast_in_dim3A_538 = vector.broadcast %jit3A_535 : f32 to vector<1024x128xf32>
    %select_n3A_539 = arith.select %broadcast_in_dim3A_537, %max3A_37, %broadcast_in_dim3A_538 : vector<1024x128xi1>, vector<1024x128xf32>
    %reduce_max3A_540 = arith.constant dense<0xFF800000> : vector<128xf32>
    %reduce_max3A_541 = vector.multi_reduction <maximumf>, %select_n3A_539, %reduce_max3A_540 [0] : vector<1024x128xf32> to vector<128xf32>
    %broadcast_in_dim3A_542 = vector.shape_cast %reduce_max3A_541 : vector<128xf32> to vector<1x128xf32>
    %eq3A_543 = arith.constant 4.600000e+01 : f32
    %eq3A_544 = vector.broadcast %eq3A_543 : f32 to vector<1024x1xf32>
    %eq3A_545 = arith.cmpf oeq, %get3A_40, %eq3A_544 : vector<1024x1xf32>
    %jit3A_546 = arith.constant 0.000000e+00 : f32
    %broadcast_in_dim3A_547 = vector.shape_cast %eq3A_545 : vector<1024x1xi1> to vector<1024x1xi1>
    %broadcast_in_dim3A_548 = vector.broadcast %broadcast_in_dim3A_547 : vector<1024x1xi1> to vector<1024x128xi1>
    %broadcast_in_dim3A_549 = vector.broadcast %jit3A_546 : f32 to vector<1024x128xf32>
    %select_n3A_550 = arith.select %broadcast_in_dim3A_548, %max3A_37, %broadcast_in_dim3A_549 : vector<1024x128xi1>, vector<1024x128xf32>
    %reduce_max3A_551 = arith.constant dense<0xFF800000> : vector<128xf32>
    %reduce_max3A_552 = vector.multi_reduction <maximumf>, %select_n3A_550, %reduce_max3A_551 [0] : vector<1024x128xf32> to vector<128xf32>
    %broadcast_in_dim3A_553 = vector.shape_cast %reduce_max3A_552 : vector<128xf32> to vector<1x128xf32>
    %eq3A_554 = arith.constant 4.700000e+01 : f32
    %eq3A_555 = vector.broadcast %eq3A_554 : f32 to vector<1024x1xf32>
    %eq3A_556 = arith.cmpf oeq, %get3A_40, %eq3A_555 : vector<1024x1xf32>
    %jit3A_557 = arith.constant 0.000000e+00 : f32
    %broadcast_in_dim3A_558 = vector.shape_cast %eq3A_556 : vector<1024x1xi1> to vector<1024x1xi1>
    %broadcast_in_dim3A_559 = vector.broadcast %broadcast_in_dim3A_558 : vector<1024x1xi1> to vector<1024x128xi1>
    %broadcast_in_dim3A_560 = vector.broadcast %jit3A_557 : f32 to vector<1024x128xf32>
    %select_n3A_561 = arith.select %broadcast_in_dim3A_559, %max3A_37, %broadcast_in_dim3A_560 : vector<1024x128xi1>, vector<1024x128xf32>
    %reduce_max3A_562 = arith.constant dense<0xFF800000> : vector<128xf32>
    %reduce_max3A_563 = vector.multi_reduction <maximumf>, %select_n3A_561, %reduce_max3A_562 [0] : vector<1024x128xf32> to vector<128xf32>
    %broadcast_in_dim3A_564 = vector.shape_cast %reduce_max3A_563 : vector<128xf32> to vector<1x128xf32>
    %eq3A_565 = arith.constant 4.800000e+01 : f32
    %eq3A_566 = vector.broadcast %eq3A_565 : f32 to vector<1024x1xf32>
    %eq3A_567 = arith.cmpf oeq, %get3A_40, %eq3A_566 : vector<1024x1xf32>
    %jit3A_568 = arith.constant 0.000000e+00 : f32
    %broadcast_in_dim3A_569 = vector.shape_cast %eq3A_567 : vector<1024x1xi1> to vector<1024x1xi1>
    %broadcast_in_dim3A_570 = vector.broadcast %broadcast_in_dim3A_569 : vector<1024x1xi1> to vector<1024x128xi1>
    %broadcast_in_dim3A_571 = vector.broadcast %jit3A_568 : f32 to vector<1024x128xf32>
    %select_n3A_572 = arith.select %broadcast_in_dim3A_570, %max3A_37, %broadcast_in_dim3A_571 : vector<1024x128xi1>, vector<1024x128xf32>
    %reduce_max3A_573 = arith.constant dense<0xFF800000> : vector<128xf32>
    %reduce_max3A_574 = vector.multi_reduction <maximumf>, %select_n3A_572, %reduce_max3A_573 [0] : vector<1024x128xf32> to vector<128xf32>
    %broadcast_in_dim3A_575 = vector.shape_cast %reduce_max3A_574 : vector<128xf32> to vector<1x128xf32>
    %eq3A_576 = arith.constant 4.900000e+01 : f32
    %eq3A_577 = vector.broadcast %eq3A_576 : f32 to vector<1024x1xf32>
    %eq3A_578 = arith.cmpf oeq, %get3A_40, %eq3A_577 : vector<1024x1xf32>
    %jit3A_579 = arith.constant 0.000000e+00 : f32
    %broadcast_in_dim3A_580 = vector.shape_cast %eq3A_578 : vector<1024x1xi1> to vector<1024x1xi1>
    %broadcast_in_dim3A_581 = vector.broadcast %broadcast_in_dim3A_580 : vector<1024x1xi1> to vector<1024x128xi1>
    %broadcast_in_dim3A_582 = vector.broadcast %jit3A_579 : f32 to vector<1024x128xf32>
    %select_n3A_583 = arith.select %broadcast_in_dim3A_581, %max3A_37, %broadcast_in_dim3A_582 : vector<1024x128xi1>, vector<1024x128xf32>
    %reduce_max3A_584 = arith.constant dense<0xFF800000> : vector<128xf32>
    %reduce_max3A_585 = vector.multi_reduction <maximumf>, %select_n3A_583, %reduce_max3A_584 [0] : vector<1024x128xf32> to vector<128xf32>
    %broadcast_in_dim3A_586 = vector.shape_cast %reduce_max3A_585 : vector<128xf32> to vector<1x128xf32>
    %eq3A_587 = arith.constant 5.000000e+01 : f32
    %eq3A_588 = vector.broadcast %eq3A_587 : f32 to vector<1024x1xf32>
    %eq3A_589 = arith.cmpf oeq, %get3A_40, %eq3A_588 : vector<1024x1xf32>
    %jit3A_590 = arith.constant 0.000000e+00 : f32
    %broadcast_in_dim3A_591 = vector.shape_cast %eq3A_589 : vector<1024x1xi1> to vector<1024x1xi1>
    %broadcast_in_dim3A_592 = vector.broadcast %broadcast_in_dim3A_591 : vector<1024x1xi1> to vector<1024x128xi1>
    %broadcast_in_dim3A_593 = vector.broadcast %jit3A_590 : f32 to vector<1024x128xf32>
    %select_n3A_594 = arith.select %broadcast_in_dim3A_592, %max3A_37, %broadcast_in_dim3A_593 : vector<1024x128xi1>, vector<1024x128xf32>
    %reduce_max3A_595 = arith.constant dense<0xFF800000> : vector<128xf32>
    %reduce_max3A_596 = vector.multi_reduction <maximumf>, %select_n3A_594, %reduce_max3A_595 [0] : vector<1024x128xf32> to vector<128xf32>
    %broadcast_in_dim3A_597 = vector.shape_cast %reduce_max3A_596 : vector<128xf32> to vector<1x128xf32>
    %eq3A_598 = arith.constant 5.100000e+01 : f32
    %eq3A_599 = vector.broadcast %eq3A_598 : f32 to vector<1024x1xf32>
    %eq3A_600 = arith.cmpf oeq, %get3A_40, %eq3A_599 : vector<1024x1xf32>
    %jit3A_601 = arith.constant 0.000000e+00 : f32
    %broadcast_in_dim3A_602 = vector.shape_cast %eq3A_600 : vector<1024x1xi1> to vector<1024x1xi1>
    %broadcast_in_dim3A_603 = vector.broadcast %broadcast_in_dim3A_602 : vector<1024x1xi1> to vector<1024x128xi1>
    %broadcast_in_dim3A_604 = vector.broadcast %jit3A_601 : f32 to vector<1024x128xf32>
    %select_n3A_605 = arith.select %broadcast_in_dim3A_603, %max3A_37, %broadcast_in_dim3A_604 : vector<1024x128xi1>, vector<1024x128xf32>
    %reduce_max3A_606 = arith.constant dense<0xFF800000> : vector<128xf32>
    %reduce_max3A_607 = vector.multi_reduction <maximumf>, %select_n3A_605, %reduce_max3A_606 [0] : vector<1024x128xf32> to vector<128xf32>
    %broadcast_in_dim3A_608 = vector.shape_cast %reduce_max3A_607 : vector<128xf32> to vector<1x128xf32>
    %eq3A_609 = arith.constant 5.200000e+01 : f32
    %eq3A_610 = vector.broadcast %eq3A_609 : f32 to vector<1024x1xf32>
    %eq3A_611 = arith.cmpf oeq, %get3A_40, %eq3A_610 : vector<1024x1xf32>
    %jit3A_612 = arith.constant 0.000000e+00 : f32
    %broadcast_in_dim3A_613 = vector.shape_cast %eq3A_611 : vector<1024x1xi1> to vector<1024x1xi1>
    %broadcast_in_dim3A_614 = vector.broadcast %broadcast_in_dim3A_613 : vector<1024x1xi1> to vector<1024x128xi1>
    %broadcast_in_dim3A_615 = vector.broadcast %jit3A_612 : f32 to vector<1024x128xf32>
    %select_n3A_616 = arith.select %broadcast_in_dim3A_614, %max3A_37, %broadcast_in_dim3A_615 : vector<1024x128xi1>, vector<1024x128xf32>
    %reduce_max3A_617 = arith.constant dense<0xFF800000> : vector<128xf32>
    %reduce_max3A_618 = vector.multi_reduction <maximumf>, %select_n3A_616, %reduce_max3A_617 [0] : vector<1024x128xf32> to vector<128xf32>
    %broadcast_in_dim3A_619 = vector.shape_cast %reduce_max3A_618 : vector<128xf32> to vector<1x128xf32>
    %eq3A_620 = arith.constant 5.300000e+01 : f32
    %eq3A_621 = vector.broadcast %eq3A_620 : f32 to vector<1024x1xf32>
    %eq3A_622 = arith.cmpf oeq, %get3A_40, %eq3A_621 : vector<1024x1xf32>
    %jit3A_623 = arith.constant 0.000000e+00 : f32
    %broadcast_in_dim3A_624 = vector.shape_cast %eq3A_622 : vector<1024x1xi1> to vector<1024x1xi1>
    %broadcast_in_dim3A_625 = vector.broadcast %broadcast_in_dim3A_624 : vector<1024x1xi1> to vector<1024x128xi1>
    %broadcast_in_dim3A_626 = vector.broadcast %jit3A_623 : f32 to vector<1024x128xf32>
    %select_n3A_627 = arith.select %broadcast_in_dim3A_625, %max3A_37, %broadcast_in_dim3A_626 : vector<1024x128xi1>, vector<1024x128xf32>
    %reduce_max3A_628 = arith.constant dense<0xFF800000> : vector<128xf32>
    %reduce_max3A_629 = vector.multi_reduction <maximumf>, %select_n3A_627, %reduce_max3A_628 [0] : vector<1024x128xf32> to vector<128xf32>
    %broadcast_in_dim3A_630 = vector.shape_cast %reduce_max3A_629 : vector<128xf32> to vector<1x128xf32>
    %eq3A_631 = arith.constant 5.400000e+01 : f32
    %eq3A_632 = vector.broadcast %eq3A_631 : f32 to vector<1024x1xf32>
    %eq3A_633 = arith.cmpf oeq, %get3A_40, %eq3A_632 : vector<1024x1xf32>
    %jit3A_634 = arith.constant 0.000000e+00 : f32
    %broadcast_in_dim3A_635 = vector.shape_cast %eq3A_633 : vector<1024x1xi1> to vector<1024x1xi1>
    %broadcast_in_dim3A_636 = vector.broadcast %broadcast_in_dim3A_635 : vector<1024x1xi1> to vector<1024x128xi1>
    %broadcast_in_dim3A_637 = vector.broadcast %jit3A_634 : f32 to vector<1024x128xf32>
    %select_n3A_638 = arith.select %broadcast_in_dim3A_636, %max3A_37, %broadcast_in_dim3A_637 : vector<1024x128xi1>, vector<1024x128xf32>
    %reduce_max3A_639 = arith.constant dense<0xFF800000> : vector<128xf32>
    %reduce_max3A_640 = vector.multi_reduction <maximumf>, %select_n3A_638, %reduce_max3A_639 [0] : vector<1024x128xf32> to vector<128xf32>
    %broadcast_in_dim3A_641 = vector.shape_cast %reduce_max3A_640 : vector<128xf32> to vector<1x128xf32>
    %eq3A_642 = arith.constant 5.500000e+01 : f32
    %eq3A_643 = vector.broadcast %eq3A_642 : f32 to vector<1024x1xf32>
    %eq3A_644 = arith.cmpf oeq, %get3A_40, %eq3A_643 : vector<1024x1xf32>
    %jit3A_645 = arith.constant 0.000000e+00 : f32
    %broadcast_in_dim3A_646 = vector.shape_cast %eq3A_644 : vector<1024x1xi1> to vector<1024x1xi1>
    %broadcast_in_dim3A_647 = vector.broadcast %broadcast_in_dim3A_646 : vector<1024x1xi1> to vector<1024x128xi1>
    %broadcast_in_dim3A_648 = vector.broadcast %jit3A_645 : f32 to vector<1024x128xf32>
    %select_n3A_649 = arith.select %broadcast_in_dim3A_647, %max3A_37, %broadcast_in_dim3A_648 : vector<1024x128xi1>, vector<1024x128xf32>
    %reduce_max3A_650 = arith.constant dense<0xFF800000> : vector<128xf32>
    %reduce_max3A_651 = vector.multi_reduction <maximumf>, %select_n3A_649, %reduce_max3A_650 [0] : vector<1024x128xf32> to vector<128xf32>
    %broadcast_in_dim3A_652 = vector.shape_cast %reduce_max3A_651 : vector<128xf32> to vector<1x128xf32>
    %eq3A_653 = arith.constant 5.600000e+01 : f32
    %eq3A_654 = vector.broadcast %eq3A_653 : f32 to vector<1024x1xf32>
    %eq3A_655 = arith.cmpf oeq, %get3A_40, %eq3A_654 : vector<1024x1xf32>
    %jit3A_656 = arith.constant 0.000000e+00 : f32
    %broadcast_in_dim3A_657 = vector.shape_cast %eq3A_655 : vector<1024x1xi1> to vector<1024x1xi1>
    %broadcast_in_dim3A_658 = vector.broadcast %broadcast_in_dim3A_657 : vector<1024x1xi1> to vector<1024x128xi1>
    %broadcast_in_dim3A_659 = vector.broadcast %jit3A_656 : f32 to vector<1024x128xf32>
    %select_n3A_660 = arith.select %broadcast_in_dim3A_658, %max3A_37, %broadcast_in_dim3A_659 : vector<1024x128xi1>, vector<1024x128xf32>
    %reduce_max3A_661 = arith.constant dense<0xFF800000> : vector<128xf32>
    %reduce_max3A_662 = vector.multi_reduction <maximumf>, %select_n3A_660, %reduce_max3A_661 [0] : vector<1024x128xf32> to vector<128xf32>
    %broadcast_in_dim3A_663 = vector.shape_cast %reduce_max3A_662 : vector<128xf32> to vector<1x128xf32>
    %eq3A_664 = arith.constant 5.700000e+01 : f32
    %eq3A_665 = vector.broadcast %eq3A_664 : f32 to vector<1024x1xf32>
    %eq3A_666 = arith.cmpf oeq, %get3A_40, %eq3A_665 : vector<1024x1xf32>
    %jit3A_667 = arith.constant 0.000000e+00 : f32
    %broadcast_in_dim3A_668 = vector.shape_cast %eq3A_666 : vector<1024x1xi1> to vector<1024x1xi1>
    %broadcast_in_dim3A_669 = vector.broadcast %broadcast_in_dim3A_668 : vector<1024x1xi1> to vector<1024x128xi1>
    %broadcast_in_dim3A_670 = vector.broadcast %jit3A_667 : f32 to vector<1024x128xf32>
    %select_n3A_671 = arith.select %broadcast_in_dim3A_669, %max3A_37, %broadcast_in_dim3A_670 : vector<1024x128xi1>, vector<1024x128xf32>
    %reduce_max3A_672 = arith.constant dense<0xFF800000> : vector<128xf32>
    %reduce_max3A_673 = vector.multi_reduction <maximumf>, %select_n3A_671, %reduce_max3A_672 [0] : vector<1024x128xf32> to vector<128xf32>
    %broadcast_in_dim3A_674 = vector.shape_cast %reduce_max3A_673 : vector<128xf32> to vector<1x128xf32>
    %eq3A_675 = arith.constant 5.800000e+01 : f32
    %eq3A_676 = vector.broadcast %eq3A_675 : f32 to vector<1024x1xf32>
    %eq3A_677 = arith.cmpf oeq, %get3A_40, %eq3A_676 : vector<1024x1xf32>
    %jit3A_678 = arith.constant 0.000000e+00 : f32
    %broadcast_in_dim3A_679 = vector.shape_cast %eq3A_677 : vector<1024x1xi1> to vector<1024x1xi1>
    %broadcast_in_dim3A_680 = vector.broadcast %broadcast_in_dim3A_679 : vector<1024x1xi1> to vector<1024x128xi1>
    %broadcast_in_dim3A_681 = vector.broadcast %jit3A_678 : f32 to vector<1024x128xf32>
    %select_n3A_682 = arith.select %broadcast_in_dim3A_680, %max3A_37, %broadcast_in_dim3A_681 : vector<1024x128xi1>, vector<1024x128xf32>
    %reduce_max3A_683 = arith.constant dense<0xFF800000> : vector<128xf32>
    %reduce_max3A_684 = vector.multi_reduction <maximumf>, %select_n3A_682, %reduce_max3A_683 [0] : vector<1024x128xf32> to vector<128xf32>
    %broadcast_in_dim3A_685 = vector.shape_cast %reduce_max3A_684 : vector<128xf32> to vector<1x128xf32>
    %eq3A_686 = arith.constant 5.900000e+01 : f32
    %eq3A_687 = vector.broadcast %eq3A_686 : f32 to vector<1024x1xf32>
    %eq3A_688 = arith.cmpf oeq, %get3A_40, %eq3A_687 : vector<1024x1xf32>
    %jit3A_689 = arith.constant 0.000000e+00 : f32
    %broadcast_in_dim3A_690 = vector.shape_cast %eq3A_688 : vector<1024x1xi1> to vector<1024x1xi1>
    %broadcast_in_dim3A_691 = vector.broadcast %broadcast_in_dim3A_690 : vector<1024x1xi1> to vector<1024x128xi1>
    %broadcast_in_dim3A_692 = vector.broadcast %jit3A_689 : f32 to vector<1024x128xf32>
    %select_n3A_693 = arith.select %broadcast_in_dim3A_691, %max3A_37, %broadcast_in_dim3A_692 : vector<1024x128xi1>, vector<1024x128xf32>
    %reduce_max3A_694 = arith.constant dense<0xFF800000> : vector<128xf32>
    %reduce_max3A_695 = vector.multi_reduction <maximumf>, %select_n3A_693, %reduce_max3A_694 [0] : vector<1024x128xf32> to vector<128xf32>
    %broadcast_in_dim3A_696 = vector.shape_cast %reduce_max3A_695 : vector<128xf32> to vector<1x128xf32>
    %eq3A_697 = arith.constant 6.000000e+01 : f32
    %eq3A_698 = vector.broadcast %eq3A_697 : f32 to vector<1024x1xf32>
    %eq3A_699 = arith.cmpf oeq, %get3A_40, %eq3A_698 : vector<1024x1xf32>
    %jit3A_700 = arith.constant 0.000000e+00 : f32
    %broadcast_in_dim3A_701 = vector.shape_cast %eq3A_699 : vector<1024x1xi1> to vector<1024x1xi1>
    %broadcast_in_dim3A_702 = vector.broadcast %broadcast_in_dim3A_701 : vector<1024x1xi1> to vector<1024x128xi1>
    %broadcast_in_dim3A_703 = vector.broadcast %jit3A_700 : f32 to vector<1024x128xf32>
    %select_n3A_704 = arith.select %broadcast_in_dim3A_702, %max3A_37, %broadcast_in_dim3A_703 : vector<1024x128xi1>, vector<1024x128xf32>
    %reduce_max3A_705 = arith.constant dense<0xFF800000> : vector<128xf32>
    %reduce_max3A_706 = vector.multi_reduction <maximumf>, %select_n3A_704, %reduce_max3A_705 [0] : vector<1024x128xf32> to vector<128xf32>
    %broadcast_in_dim3A_707 = vector.shape_cast %reduce_max3A_706 : vector<128xf32> to vector<1x128xf32>
    %eq3A_708 = arith.constant 6.100000e+01 : f32
    %eq3A_709 = vector.broadcast %eq3A_708 : f32 to vector<1024x1xf32>
    %eq3A_710 = arith.cmpf oeq, %get3A_40, %eq3A_709 : vector<1024x1xf32>
    %jit3A_711 = arith.constant 0.000000e+00 : f32
    %broadcast_in_dim3A_712 = vector.shape_cast %eq3A_710 : vector<1024x1xi1> to vector<1024x1xi1>
    %broadcast_in_dim3A_713 = vector.broadcast %broadcast_in_dim3A_712 : vector<1024x1xi1> to vector<1024x128xi1>
    %broadcast_in_dim3A_714 = vector.broadcast %jit3A_711 : f32 to vector<1024x128xf32>
    %select_n3A_715 = arith.select %broadcast_in_dim3A_713, %max3A_37, %broadcast_in_dim3A_714 : vector<1024x128xi1>, vector<1024x128xf32>
    %reduce_max3A_716 = arith.constant dense<0xFF800000> : vector<128xf32>
    %reduce_max3A_717 = vector.multi_reduction <maximumf>, %select_n3A_715, %reduce_max3A_716 [0] : vector<1024x128xf32> to vector<128xf32>
    %broadcast_in_dim3A_718 = vector.shape_cast %reduce_max3A_717 : vector<128xf32> to vector<1x128xf32>
    %eq3A_719 = arith.constant 6.200000e+01 : f32
    %eq3A_720 = vector.broadcast %eq3A_719 : f32 to vector<1024x1xf32>
    %eq3A_721 = arith.cmpf oeq, %get3A_40, %eq3A_720 : vector<1024x1xf32>
    %jit3A_722 = arith.constant 0.000000e+00 : f32
    %broadcast_in_dim3A_723 = vector.shape_cast %eq3A_721 : vector<1024x1xi1> to vector<1024x1xi1>
    %broadcast_in_dim3A_724 = vector.broadcast %broadcast_in_dim3A_723 : vector<1024x1xi1> to vector<1024x128xi1>
    %broadcast_in_dim3A_725 = vector.broadcast %jit3A_722 : f32 to vector<1024x128xf32>
    %select_n3A_726 = arith.select %broadcast_in_dim3A_724, %max3A_37, %broadcast_in_dim3A_725 : vector<1024x128xi1>, vector<1024x128xf32>
    %reduce_max3A_727 = arith.constant dense<0xFF800000> : vector<128xf32>
    %reduce_max3A_728 = vector.multi_reduction <maximumf>, %select_n3A_726, %reduce_max3A_727 [0] : vector<1024x128xf32> to vector<128xf32>
    %broadcast_in_dim3A_729 = vector.shape_cast %reduce_max3A_728 : vector<128xf32> to vector<1x128xf32>
    %eq3A_730 = arith.constant 6.300000e+01 : f32
    %eq3A_731 = vector.broadcast %eq3A_730 : f32 to vector<1024x1xf32>
    %eq3A_732 = arith.cmpf oeq, %get3A_40, %eq3A_731 : vector<1024x1xf32>
    %jit3A_733 = arith.constant 0.000000e+00 : f32
    %broadcast_in_dim3A_734 = vector.shape_cast %eq3A_732 : vector<1024x1xi1> to vector<1024x1xi1>
    %broadcast_in_dim3A_735 = vector.broadcast %broadcast_in_dim3A_734 : vector<1024x1xi1> to vector<1024x128xi1>
    %broadcast_in_dim3A_736 = vector.broadcast %jit3A_733 : f32 to vector<1024x128xf32>
    %select_n3A_737 = arith.select %broadcast_in_dim3A_735, %max3A_37, %broadcast_in_dim3A_736 : vector<1024x128xi1>, vector<1024x128xf32>
    %reduce_max3A_738 = arith.constant dense<0xFF800000> : vector<128xf32>
    %reduce_max3A_739 = vector.multi_reduction <maximumf>, %select_n3A_737, %reduce_max3A_738 [0] : vector<1024x128xf32> to vector<128xf32>
    %broadcast_in_dim3A_740 = vector.shape_cast %reduce_max3A_739 : vector<128xf32> to vector<1x128xf32>
    %concatenate3A = tpu.concatenate %broadcast_in_dim3A_47, %broadcast_in_dim3A_58, %broadcast_in_dim3A_69, %broadcast_in_dim3A_80, %broadcast_in_dim3A_91, %broadcast_in_dim3A_102, %broadcast_in_dim3A_113, %broadcast_in_dim3A_124, %broadcast_in_dim3A_135, %broadcast_in_dim3A_146, %broadcast_in_dim3A_157, %broadcast_in_dim3A_168, %broadcast_in_dim3A_179, %broadcast_in_dim3A_190, %broadcast_in_dim3A_201, %broadcast_in_dim3A_212, %broadcast_in_dim3A_223, %broadcast_in_dim3A_234, %broadcast_in_dim3A_245, %broadcast_in_dim3A_256, %broadcast_in_dim3A_267, %broadcast_in_dim3A_278, %broadcast_in_dim3A_289, %broadcast_in_dim3A_300, %broadcast_in_dim3A_311, %broadcast_in_dim3A_322, %broadcast_in_dim3A_333, %broadcast_in_dim3A_344, %broadcast_in_dim3A_355, %broadcast_in_dim3A_366, %broadcast_in_dim3A_377, %broadcast_in_dim3A_388, %broadcast_in_dim3A_399, %broadcast_in_dim3A_410, %broadcast_in_dim3A_421, %broadcast_in_dim3A_432, %broadcast_in_dim3A_443, %broadcast_in_dim3A_454, %broadcast_in_dim3A_465, %broadcast_in_dim3A_476, %broadcast_in_dim3A_487, %broadcast_in_dim3A_498, %broadcast_in_dim3A_509, %broadcast_in_dim3A_520, %broadcast_in_dim3A_531, %broadcast_in_dim3A_542, %broadcast_in_dim3A_553, %broadcast_in_dim3A_564, %broadcast_in_dim3A_575, %broadcast_in_dim3A_586, %broadcast_in_dim3A_597, %broadcast_in_dim3A_608, %broadcast_in_dim3A_619, %broadcast_in_dim3A_630, %broadcast_in_dim3A_641, %broadcast_in_dim3A_652, %broadcast_in_dim3A_663, %broadcast_in_dim3A_674, %broadcast_in_dim3A_685, %broadcast_in_dim3A_696, %broadcast_in_dim3A_707, %broadcast_in_dim3A_718, %broadcast_in_dim3A_729, %broadcast_in_dim3A_740 in 0 : vector<1x128xf32>, vector<1x128xf32>, vector<1x128xf32>, vector<1x128xf32>, vector<1x128xf32>, vector<1x128xf32>, vector<1x128xf32>, vector<1x128xf32>, vector<1x128xf32>, vector<1x128xf32>, vector<1x128xf32>, vector<1x128xf32>, vector<1x128xf32>, vector<1x128xf32>, vector<1x128xf32>, vector<1x128xf32>, vector<1x128xf32>, vector<1x128xf32>, vector<1x128xf32>, vector<1x128xf32>, vector<1x128xf32>, vector<1x128xf32>, vector<1x128xf32>, vector<1x128xf32>, vector<1x128xf32>, vector<1x128xf32>, vector<1x128xf32>, vector<1x128xf32>, vector<1x128xf32>, vector<1x128xf32>, vector<1x128xf32>, vector<1x128xf32>, vector<1x128xf32>, vector<1x128xf32>, vector<1x128xf32>, vector<1x128xf32>, vector<1x128xf32>, vector<1x128xf32>, vector<1x128xf32>, vector<1x128xf32>, vector<1x128xf32>, vector<1x128xf32>, vector<1x128xf32>, vector<1x128xf32>, vector<1x128xf32>, vector<1x128xf32>, vector<1x128xf32>, vector<1x128xf32>, vector<1x128xf32>, vector<1x128xf32>, vector<1x128xf32>, vector<1x128xf32>, vector<1x128xf32>, vector<1x128xf32>, vector<1x128xf32>, vector<1x128xf32>, vector<1x128xf32>, vector<1x128xf32>, vector<1x128xf32>, vector<1x128xf32>, vector<1x128xf32>, vector<1x128xf32>, vector<1x128xf32>, vector<1x128xf32> -> vector<64x128xf32>
    %get3A_741 = arith.constant 0 : index
    %get3A_742 = arith.constant 0 : index
    %get3A_743 = vector.load %arg11[%get3A_741, %get3A_742] : memref<64x128xf32, #tpu.memory_space<vmem>>, vector<64x128xf32>
    %max3A_744 = arith.maximumf %get3A_743, %concatenate3A : vector<64x128xf32>
    %swap3A = arith.constant 0 : index
    %swap3A_745 = arith.constant 0 : index
    %swap3A_746 = vector.load %arg11[%swap3A, %swap3A_745] : memref<64x128xf32, #tpu.memory_space<vmem>>, vector<64x128xf32>
    tpu.vector_store %arg11[%swap3A, %swap3A_745], %max3A_744 {strides = array<i32>} : memref<64x128xf32, #tpu.memory_space<vmem>>, vector<64x128xf32>,
    %eq3A_747 = arith.constant 9 : i32
    %eq3A_748 = arith.cmpi eq, %arg0, %eq3A_747 : i32
    %convert_element_type3A_749 = arith.extui %eq3A_748 : i1 to i32
    %cond3A_750 = arith.constant 0 : i32
    %cond3A_751 = arith.cmpi ne, %convert_element_type3A_749, %cond3A_750 : i32
    scf.if %cond3A_751 {
      %get3A_752 = arith.constant 0 : index
      %get3A_753 = arith.constant 0 : index
      %get3A_754 = vector.load %arg11[%get3A_752, %get3A_753] : memref<64x128xf32, #tpu.memory_space<vmem>>, vector<64x128xf32>
      %get3A_755 = arith.constant 0 : index
      %get3A_756 = arith.constant 0 : index
      %get3A_757 = vector.load %arg8[%get3A_755, %get3A_756] : memref<128x2xf32, #tpu.memory_space<vmem>>, vector<128x2xf32>
      %dot_general3A_758 = arith.constant dense<0.000000e+00> : vector<64x2xf32>
      %dot_general3A_759 = tpu.matmul %get3A_754, %get3A_757, %dot_general3A_758 {dimension_numbers = #tpu.dot_dimension_numbers<[1], [0], [0], [1], [0, 0, 1, 1], [], []>, transpose_lhs_hint = false} : vector<64x128xf32>, vector<128x2xf32>, vector<64x2xf32> -> vector<64x2xf32>
      %get3A_760 = arith.constant 0 : index
      %get3A_761 = arith.constant 0 : index
      %get3A_762 = vector.load %arg9[%get3A_760, %get3A_761] : memref<1x2xf32, #tpu.memory_space<vmem>>, vector<1x2xf32>
      %add3A_763 = vector.broadcast %get3A_762 : vector<1x2xf32> to vector<64x2xf32>
      %add3A_764 = arith.addf %dot_general3A_759, %add3A_763 : vector<64x2xf32>
      %reduce_max3A_765 = arith.constant dense<0xFF800000> : vector<64xf32>
      %reduce_max3A_766 = vector.multi_reduction <maximumf>, %add3A_764, %reduce_max3A_765 [1] : vector<64x2xf32> to vector<64xf32>
      %broadcast_in_dim3A_767 = vector.shape_cast %reduce_max3A_766 : vector<64xf32> to vector<64x1xf32>
      %sub3A = vector.broadcast %broadcast_in_dim3A_767 : vector<64x1xf32> to vector<64x2xf32>
      %sub3A_768 = arith.subf %add3A_764, %sub3A : vector<64x2xf32>
      %exp3A = math.exp %sub3A_768 : vector<64x2xf32>
      %reduce_sum3A = arith.constant dense<0.000000e+00> : vector<64xf32>
      %reduce_sum3A_769 = vector.multi_reduction <add>, %exp3A, %reduce_sum3A [1] : vector<64x2xf32> to vector<64xf32>
      %broadcast_in_dim3A_770 = vector.shape_cast %reduce_sum3A_769 : vector<64xf32> to vector<64x1xf32>
      %log3A = math.log %broadcast_in_dim3A_770 : vector<64x1xf32>
      %add3A_771 = arith.addf %log3A, %broadcast_in_dim3A_767 : vector<64x1xf32>
      %sub3A_772 = vector.broadcast %add3A_771 : vector<64x1xf32> to vector<64x2xf32>
      %sub3A_773 = arith.subf %add3A_764, %sub3A_772 : vector<64x2xf32>
      %swap3A_774 = arith.constant 0 : index
      %swap3A_775 = arith.constant 0 : index
      %swap3A_776 = vector.load %arg10[%swap3A_774, %swap3A_775] : memref<64x2xf32, #tpu.memory_space<vmem>>, vector<64x2xf32>
      tpu.vector_store %arg10[%swap3A_774, %swap3A_775], %sub3A_773 {strides = array<i32>} : memref<64x2xf32, #tpu.memory_space<vmem>>, vector<64x2xf32>,
    } else {
    }
    return
  }
  func.func @transform_0(%arg0: i32) -> (i32, i32, i32) {
    %c0_i32 = arith.constant 0 : i32
    %c0_i32_0 = arith.constant 0 : i32
    %c0_i32_1 = arith.constant 0 : i32
    return %c0_i32, %arg0, %c0_i32_0 : i32, i32, i32
  }
  func.func @transform_1(%arg0: i32) -> (i32, i32) {
    %c0_i32 = arith.constant 0 : i32
    %c0_i32_0 = arith.constant 0 : i32
    return %arg0, %c0_i32 : i32, i32
  }
  func.func @transform_2(%arg0: i32) -> (i32, i32) {
    %c0_i32 = arith.constant 0 : i32
    %c0_i32_0 = arith.constant 0 : i32
    return %arg0, %c0_i32 : i32, i32
  }
  func.func @transform_3(%arg0: i32) -> (i32, i32) {
    %c0_i32 = arith.constant 0 : i32
    %c0_i32_0 = arith.constant 0 : i32
    return %arg0, %c0_i32 : i32, i32
  }
  func.func @transform_4(%arg0: i32) -> (i32, i32) {
    %c0_i32 = arith.constant 0 : i32
    %c0_i32_0 = arith.constant 0 : i32
    %c0_i32_1 = arith.constant 0 : i32
    return %c0_i32, %c0_i32_0 : i32, i32
  }
  func.func @transform_5(%arg0: i32) -> (i32, i32) {
    %c0_i32 = arith.constant 0 : i32
    %c0_i32_0 = arith.constant 0 : i32
    %c0_i32_1 = arith.constant 0 : i32
    return %c0_i32, %c0_i32_0 : i32, i32
  }
  func.func @transform_6(%arg0: i32) -> (i32, i32) {
    %c0_i32 = arith.constant 0 : i32
    %c0_i32_0 = arith.constant 0 : i32
    %c0_i32_1 = arith.constant 0 : i32
    return %c0_i32, %c0_i32_0 : i32, i32
  }
  func.func @transform_7(%arg0: i32) -> (i32, i32) {
    %c0_i32 = arith.constant 0 : i32
    %c0_i32_0 = arith.constant 0 : i32
    %c0_i32_1 = arith.constant 0 : i32
    return %c0_i32, %c0_i32_0 : i32, i32
  }
  func.func @transform_8(%arg0: i32) -> (i32, i32) {
    %c0_i32 = arith.constant 0 : i32
    %c0_i32_0 = arith.constant 0 : i32
    %c0_i32_1 = arith.constant 0 : i32
    return %c0_i32, %c0_i32_0 : i32, i32
  }
  func.func @transform_9(%arg0: i32) -> (i32, i32) {
    %c0_i32 = arith.constant 0 : i32
    %c0_i32_0 = arith.constant 0 : i32
    %c0_i32_1 = arith.constant 0 : i32
    return %c0_i32, %c0_i32_0 : i32, i32
  }
}

</mosaic_0001>

<sc_bundles>
// kernel: kernel.5.cloned.1.call-start
scs
__scs_entry_jumppad:
0x0: {  	(pc) =	sbr.rel $0x88, $3  }
0x1: {  	(tag) =	ssettag $0x0;
	lr =	simm.s32 $0x1  }
0x2: {  	[smem:$0x3F99] =	sst lr;
	_ =	strace $0xD0000000  }
0x3: {  	_ = 	snop  }
0x4: {  	_ = 	snop  }
0x5: {  	_ = 	snop  }
0x6: {  	_ = 	snop  }
0x7: {  	_ = 	snop  }
__scs_overlays_trampoline_lowered:
0x8: {  	[smem:$0x3FA8] =	sst s0  }
0x9: {  	[smem:$0x3FA9] =	sst s1  }
0xa: {  	[smem:$0x3FAA] =	sst s2  }
0xb: {  	[smem:$0x3FAB] =	sst s3  }
0xc: {  	[smem:$0x3FAC] =	sst s4  }
0xd: {  	[smem:$0x3FAD] =	sst s5  }
0xe: {  	[smem:$0x3FAE] =	sst s6  }
0xf: {  	[smem:$0x3FAF] =	sst s7  }
0x10: {  	[smem:$0x3FB0] =	sst s8  }
0x11: {  	[smem:$0x3FB1] =	sst s9;
	s0 =	simm.s32 @!p0 $0x0  }
0x12: {  	s1 =	sld [smem:$0x3F97];
	s0 =	simm.s32 @p0 $0x1  }
0x13: {  	[smem:$0x3FB2] =	sst s0;
	s0 =	simm.s32 @!p1 $0x0  }
0x14: {  	s2 =	sld [smem:$0x3F96];
	s0 =	simm.s32 @p1 $0x1  }
0x15: {  	[smem:$0x3FB3] =	sst s0;
	s0 =	simm.s32 @!p2 $0x0  }
0x16: {  	s3 =	sld [smem:$0x3FDB];
	s0 =	simm.s32 @p2 $0x1  }
0x17: {  	s4 =	simm.s32 $0x1BF5;
	[smem:$0x3FB5] =	sst s0  }
0x18: {  	s0 =	sld [smem:$0x3F98];
	_ =	swait.ge [sflag:s4], $0x0  }
0x19: {  	s7 =	sld [smem:$0x3F99]  }
0x1a: {  	s8 =	sadd.s32 $0xFFFFE003, lr  }
0x1b: {  	s9 =	sadd.s32 $0xFFFFFEF7, lr;
	s5 =	simm.s32 $0xFFFFFFFF;
	p2 =	slt.u32 s8, $0xFFFFF086  }
0x1c: {  	p1 =	slt.u32 s9, $0xF7A;
	s5 =	simm.s32 @!p2 $0x0  }
0x1d: {  	s5 =	simm.s32 @p1 $0x1;
	p0 =	seq.s32 s7, s2  }
0x1e: {  	s7 =	smul.u32 @!p0 $0xF7A, s2;
	p2 =	seq.s32 @!p0 s5, $0x0  }
0x1f: {  	s9 =	smul.u32 $0xF7A, s1;
	s8 =	simm.s32 @!p0 $0x1BF5;
	p2 =	por !p2, p0  }
0x20: {  	[sflag:s8] =	ssyncset.s32 @!p0 $0xFFFFF086;
	s6 =	sadd.s32 @!p0 s3, s7;
	s7 =	simm.s32 @!p0 $0x108  }
0x21: {  	s3 =	sadd.s32 s3, s9;
	s6 =	sadd.s32 @!p0 $0x88, s6;
	s7 =	simm.s32 @p2 $0x1082  }
0x22: {  	[simem:s7], [sflag:s8] =	dma.local @!p0 [hbm:s6], $0xF7A  }
0x23: {  	s9 =	sor.u32 $0xD0000000, s2;
	s6 =	simm.s32 $0x108;
	_ =	swait.ge @!p0 [sflag:s8], $0x0  }
0x24: {  	s3 =	sadd.s32 $0x88, s3;
	s6 =	simm.s32 @!p1 $0x1082;
	[sflag:s4] =	ssyncset.s32 $0xFFFFF086  }
0x25: {  	[simem:s6], [sflag:s4] =	dma.local [hbm:s3], $0xF7A  }
0x26: {  	[smem:$0x3F99] =	sst s1;
	(tag) =	ssettag s2;
	_ =	strace s9  }
0x27: {  	s1 =	sld [smem:$0x3FA9]  }
0x28: {  	s2 =	sld [smem:$0x3FAA]  }
0x29: {  	s4 =	sld [smem:$0x3FAC]  }
0x2a: {  	p0 =	seq.s32 s5, $0x0;
	s5 =	sld [smem:$0x3FAD]  }
0x2b: {  	s6 =	sld [smem:$0x3FAE]  }
0x2c: {  	s7 =	sld [smem:$0x3FAF]  }
0x2d: {  	s3 =	simm.s32 $0x108;
	s8 =	sld [smem:$0x3FB0]  }
0x2e: {  	s3 =	simm.s32 @!p0 $0x1082;
	s9 =	sld [smem:$0x3FB1]  }
0x2f: {  	lr =	sadd.s32 s0, s3;
	s0 =	sld [smem:$0x3FA8]  }
0x30: {  	s3 =	sld [smem:$0x3FAB]  }
0x31: {  	[smem:$0x3FB4] =	sst s10  }
0x32: {  	s10 =	sld [smem:$0x3FB2];
	_ =	sdelay $0x3  }
0x33: {  	p0 =	seq.s32 s10, $0x1;
	s10 =	sld [smem:$0x3FB4];
	_ =	sdelay $0x3  }
0x34: {  	[smem:$0x3FB4] =	sst s10  }
0x35: {  	s10 =	sld [smem:$0x3FB3];
	_ =	sdelay $0x3  }
0x36: {  	p1 =	seq.s32 s10, $0x1;
	s10 =	sld [smem:$0x3FB4];
	_ =	sdelay $0x3  }
0x37: {  	[smem:$0x3FB4] =	sst s10  }
0x38: {  	s10 =	sld [smem:$0x3FB5]  }
0x39: {  	_ = 	snop;
	(pc) =	sbr.ind lr, $3  }
0x3a: {  	_ = 	snop  }
0x3b: {  	_ = 	snop  }
0x3c: {  	p2 =	seq.s32 s10, $0x1;
	s10 =	sld [smem:$0x3FB4]  }
0x3d: {  	_ =	shalt  }
0x3e: {  	_ =	shalt  }
0x3f: {  	_ =	shalt  }
0x40: {  	_ =	shalt  }
0x41: {  	_ =	shalt  }
0x42: {  	_ =	shalt  }
0x43: {  	_ =	shalt  }
0x44: {  	_ =	shalt  }
0x45: {  	_ =	shalt  }
0x46: {  	_ =	shalt  }
0x47: {  	_ =	shalt  }
0x48: {  	_ =	shalt  }
0x49: {  	_ =	shalt  }
0x4a: {  	_ =	shalt  }
0x4b: {  	_ =	shalt  }
0x4c: {  	_ =	shalt  }
0x4d: {  	_ =	shalt  }
0x4e: {  	_ =	shalt  }
0x4f: {  	_ =	shalt  }
0x50: {  	_ =	shalt  }
0x51: {  	_ =	shalt  }
0x52: {  	_ =	shalt  }
0x53: {  	_ =	shalt  }
0x54: {  	_ =	shalt  }
0x55: {  	_ =	shalt  }
0x56: {  	_ =	shalt  }
0x57: {  	_ =	shalt  }
0x58: {  	_ =	shalt  }
0x59: {  	_ =	shalt  }
0x5a: {  	_ =	shalt  }
0x5b: {  	_ =	shalt  }
0x5c: {  	_ =	shalt  }
0x5d: {  	_ =	shalt  }
0x5e: {  	_ =	shalt  }
0x5f: {  	_ =	shalt  }
0x60: {  	_ =	shalt  }
0x61: {  	_ =	shalt  }
0x62: {  	_ =	shalt  }
0x63: {  	_ =	shalt  }
0x64: {  	_ =	shalt  }
0x65: {  	_ =	shalt  }
0x66: {  	_ =	shalt  }
0x67: {  	_ =	shalt  }
0x68: {  	_ =	shalt  }
0x69: {  	_ =	shalt  }
0x6a: {  	_ =	shalt  }
0x6b: {  	_ =	shalt  }
0x6c: {  	_ =	shalt  }
0x6d: {  	_ =	shalt  }
0x6e: {  	_ =	shalt  }
0x6f: {  	_ =	shalt  }
0x70: {  	_ =	shalt  }
0x71: {  	_ =	shalt  }
0x72: {  	_ =	shalt  }
0x73: {  	_ =	shalt  }
0x74: {  	_ =	shalt  }
0x75: {  	_ =	shalt  }
0x76: {  	_ =	shalt  }
0x77: {  	_ =	shalt  }
0x78: {  	_ =	shalt  }
0x79: {  	_ =	shalt  }
0x7a: {  	_ =	shalt  }
0x7b: {  	_ =	shalt  }
0x7c: {  	_ =	shalt  }
0x7d: {  	_ =	shalt  }
0x7e: {  	_ =	shalt  }
0x7f: {  	_ =	shalt  }
0x80: {  	_ =	shalt  }
0x81: {  	_ =	shalt  }
0x82: {  	_ =	shalt  }
0x83: {  	_ =	shalt  }
0x84: {  	_ =	shalt  }
0x85: {  	_ =	shalt  }
0x86: {  	_ =	shalt  }
0x87: {  	_ =	shalt  }
.Lfunc_end0:
.L_simem_size_0:
called_computation_lowered:
.L_overlay_start_0:
0x88: {  	s2 =	sld [smem:$0x3FD9]  }
0x89: {  	s3 =	sld [smem:$0x3FFE];
	_ =	sdelay $0x1  }
0x8a: {  	s1 =	srdreg.scid  }
0x8b: {  	s0 =	sand.u32 $0x1, s1  }
0x8c: {  	s17 =	sshll.u32 s0, $0xA;
	s2 =	sadd.s32 s3, s2  }
0x8d: {  	s2 =	sadd.s32 s2, s17  }
0x8e: {  	[smem:$0x3FC0] =	sst s2  }
0x8f: {  	_ = 	snop  }
0x90: {  	s2 =	sld [smem:$0x3FC9];
	(tm) =	ssettm $0x1  }
0x91: {  	s18 =	sld [smem:$0x3FFB];
	_ =	sdelay $0x3  }
0x92: {  	_ =	strace s18  }
0x93: {  	s3 =	sld [smem:$0x3FFC];
	_ =	sdelay $0x3  }
0x94: {  	_ =	strace s3  }
0x95: {  	s3 =	sld [smem:$0x3FFD];
	_ =	sdelay $0x3  }
0x96: {  	_ =	strace s3  }
0x97: {  	_ =	strace $0x8FFFFFFF  }
0x98: {  	s19 =	sld [smem:$0x3FDB];
	_ =	sdelay $0x1  }
0x99: {  	s4 =	simm.s32 $_scs_section_size  }
0x9a: {  	s5 =	simm.s32 $_size__tile_overlayer_lowered;
	s6 =	simm.s32 $_tile_overlayer_lowered  }
0x9b: {  	s22 =	simm.s32 $0x1BFF;
	s21 =	sshll.u32 s6, $0x1;
	s3 =	sadd.s32 s4, s19  }
0x9c: {  	s7 =	simm.s32 $0x0;
	s20 =	sshll.u32 s5, $0x1;
	s5 =	sadd.s32 s21, s3  }
0x9d: {  	[timem:s7], [sflag:s22] =	dma.local [hbm:s5], s20  }
0x9e: {  	_ =	swait.ge [sflag:s22], s20  }
0x9f: {  	s4 =	ssub.s32 $0x0, s20;
	[sflag:s22] =	ssyncset.done $0x0  }
0xa0: {  	[sflag:s22] =	ssyncadd.s32 s4;
	_ =	sdelay $0x1  }
0xa1: {  	s23 =	simm.s32 $0x1B8B  }
0xa2: {  	_ =	swait.ge [sflag:s23], $0x1  }
0xa3: {  	[sflag:s23] =	ssyncset.done $0x0  }
0xa4: {  	s25 =	simm.s32 $0x1B8E;
	s24 =	sld [smem:$0x3FFE];
	[sflag:s23] =	ssyncadd.s32 $0xFFFFFFFF  }
0xa5: {  	s26 =	simm.s32 $execute0_lowered;
	[smem:$0x3FD2] =	sst s25  }
0xa6: {  	s5 =	sshll.u32 s26, $0x1;
	_ =	strace $0x80000046;
	[dreg:$0x1] =	wrdreg $0xFFFFFFFF  }
0xa7: {  	s28 =	simm.s32 $_size_execute0_lowered;
	s3 =	sadd.s32 s3, s5;
	[dreg:$0x0] =	wrdreg $0x0  }
0xa8: {  	s5 =	sshll.u32 s28, $0x1;
	[dreg:$0x2] =	wrdreg s3  }
0xa9: {  	[dreg:$0x3] =	wrdreg s5  }
0xaa: {  	[dreg:$0x4] =	wrdreg $0xC0  }
0xab: {  	_ =	task [dreg:s7], $0x5FFFF  }
0xac: {  	[dreg:$0x1] =	wrdreg $0xFFFFFFFF  }
0xad: {  	[dreg:$0x0] =	wrdreg $0x60  }
0xae: {  	[dreg:$0x2] =	wrdreg s2  }
0xaf: {  	[dreg:$0x3] =	wrdreg s24  }
0xb0: {  	[dreg:$0x4] =	wrdreg $0xA8000  }
0xb1: {  	[dreg:$0x5] =	wrdreg $0x9  }
0xb2: {  	_ =	task.clear_ibuf [dreg:s7], $0x6FFFF;
	_ =	strace $0x90000046  }
0xb3: {  	s29 =	simm.s32 $0x9;
	_ =	strace $0x80000048  }
0xb4: {  	_ =	swait.ge [sflag:s29], $0x1  }
0xb5: {  	[sflag:s29] =	ssyncadd.s32 $0xFFFFFFFF  }
0xb6: {  	_ =	strace $0x90000048  }
0xb7: {  	_ =	sfence  }
0xb8: {  	s30 =	sld [smem:$0x0];
	_ =	sdelay $0x2  }
0xb9: {  	s31 =	sshll.u32 s1, $0xD;
	s1 =	sshrl.u32 s1, $0x2  }
0xba: {  	s3 =	sand.u32 $0x4000, s31;
	s1 =	sadd.s32 s1, s30  }
0xbb: {  	s0 =	sor.u32 s3, s0;
	s1 =	sshll.u32 s1, $0x11  }
0xbc: {  	s0 =	sor.u32 s1, s0  }
0xbd: {  	s0 =	sadd.s32 $0x8F2B, s0  }
0xbe: {  	[sflag:s0] =	ssyncadd.remote.s32 $0x1  }
0xbf: {  	_ =	sfence.sel $0xFFFF  }
0xc0: {  	[dreg:$0x0] =	wrdreg $0xFFFFFFFF;
	(pc) =	sbr.abs _section_cstart, $3  }
0xc1: {  	[dreg:$0x1] =	wrdreg $0xFFFFFFFF  }
0xc2: {  	_ =	task.clear_ibuf [dreg:s7], $0x2FFFF;
	_ =	strace $0x9FFFFFFF  }
0xc3: {  	(tm) =	ssettm $0x7FFFFFFF  }
tec
execute0_lowered:
.L_overlay_start_1:
0x0: {  	(tag) =	ssettag $0x1  }
0x1: {  	s1 =	rddreg [dreg:$0x0]  }
0x2: {  	s6 =	rddreg [dreg:$0x1]  }
0x3: {  	s2 =	rddreg [dreg:$0x2]  }
0x4: {  	s3 =	srdreg.scid;
	s0 =	rddreg [dreg:$0x3];
	s4 =	simm.s32 $0x0  }
0x5: {  	s19 =	simm.s32 $0x1400;
	s20 =	simm.s32 $0x80;
	s21 =	simm.s32 $0x2800  }
0x6: {  	s22 =	simm.s32 $0x6800;
	s7 =	sand.u32 $0x1, s3;
	s3 =	stileid.u32  }
0x7: {  	s28 =	simm.s32 $0x0;
	[smem:$0x7FF] =	sst s4;
	s5 =	smul.u32 $0x140000, s7  }
0x8: {  	s9 =	sadd.s32 $0xB200, s6;
	s10 =	sadd.s32 $0x1200, s6;
	s8 =	smul.u32 $0x14000, s3  }
0x9: {  	_ =	strace $0x80000047;
	s11 =	sshll.u32 s3, $0x1;
	s12 =	ssub.s32 $0x2, s7  }
0xa: {  	s23 =	smul.u32 $0x50000, s3;
	s30 =	sshll.u32 s3, $0x6;
	s7 =	sor.u32 s7, s11  }
0xb: {  	s24 =	sshrl.u32 s12, $0x1;
	s8 =	sadd.s32 s8, s5;
	s5 =	sadd.s32 $0x15200, s6  }
0xc: {  	s25 =	smul.u32 $0x2800, s7;
	s12 =	ssub.s32 s12, s24;
	s26 =	sshrl.u32 s23, $0x2  }
0xd: {  	s29 =	smul.u32 $0x500, s7;
	s23 =	simm.s32 $0x1;
	s24 =	simm.s32 $0x2  }
0xe: {  	s8 =	sshrl.u32 s8, $0x3;
	s14 =	sadd.s32 s26, s2;
	s12 =	smax.u32 s12, $0x1  }
0xf: {  	s26 =	simm.s32 $0x2780;
	s13 =	sadd.s32 s8, s6;
	s8 =	sshrl.u32 s25, $0x3  }
0x10: {  	s6 =	sor.u32 $0x1C03, s30;
	s7 =	sadd.s32 s9, s29;
	s31 =	sadd.s32 $0x4000, s14  }
0x11: {  	s16 =	sadd.s32 $0x8000, s14;
	s17 =	sadd.s32 $0xC000, s14;
	s18 =	sadd.s32 $0x10000, s14  }
0x12: {  	s25 =	simm.s32 $0x2700;
	s15 =	sadd.s32 $0x280, s8;
	s8 =	sadd.s32 s10, s29  }
0x13: {  	s11 =	sadd.s32 $0x15A00, s13;
	s13 =	sshrl.u32 s14, $0x3;
	s14 =	simm.s32 $0x3  }
0x14: {  	s16 =	sshrl.u32 s16, $0x3;
	s17 =	sshrl.u32 s17, $0x3;
	s18 =	sshrl.u32 s18, $0x3  }
0x15: {  	s9 =	sadd.s32 s9, s15;
	s10 =	sadd.s32 s10, s15;
	s15 =	sshrl.u32 s31, $0x3  }
.LBB2_1:
0x16: {  	[spmem:s13], [sflag:s6] =	dma.local [hbm:s5], $0x800  }
0x17: {  	_ =	swait.ge [sflag:s14], $0x800  }
0x18: {  	[sflag:s14] =	ssyncset.done $0x0  }
0x19: {  	[sflag:s14] =	ssyncadd.s32 $0xFFFFF800  }
0x1a: {  	[spmem:s15], [sflag:s6] =	dma.local [hbm:s5], $0x800  }
0x1b: {  	_ =	swait.ge [sflag:s14], $0x800  }
0x1c: {  	[sflag:s14] =	ssyncset.done $0x0  }
0x1d: {  	[sflag:s14] =	ssyncadd.s32 $0xFFFFF800  }
0x1e: {  	[spmem:s16], [sflag:s6] =	dma.local [hbm:s5], $0x800  }
0x1f: {  	_ =	swait.ge [sflag:s14], $0x800  }
0x20: {  	[sflag:s14] =	ssyncset.done $0x0  }
0x21: {  	[sflag:s14] =	ssyncadd.s32 $0xFFFFF800  }
0x22: {  	[spmem:s17], [sflag:s6] =	dma.local [hbm:s5], $0x800  }
0x23: {  	_ =	swait.ge [sflag:s14], $0x800  }
0x24: {  	[sflag:s14] =	ssyncset.done $0x0  }
0x25: {  	[sflag:s14] =	ssyncadd.s32 $0xFFFFF800  }
0x26: {  	[spmem:s18], [sflag:s6] =	dma.local [hbm:s5], $0x800  }
0x27: {  	_ =	swait.ge [sflag:s14], $0x800  }
0x28: {  	[sflag:s14] =	ssyncset.done $0x0  }
0x29: {  	[sflag:s14] =	ssyncadd.s32 $0xFFFFF800  }
0x2a: {  	[bflag:$0x0] =	sbarrier.arrive $0xFFFF  }
0x2b: {  	[tilespmem:s4], [sflag:$0x3] =	stream.linear.gather [hbm4b:s7+s4], $0x1400, $0x38;
	[tilespmem:$0x1E800] =	vst v63  }
0x2c: {  	_ =	swait.ge [sflag:s14], $0x1400  }
0x2d: {  	[sflag:s14] =	ssyncset.done $0x0  }
0x2e: {  	[sflag:s14] =	ssyncadd.s32 $0xFFFFEC00  }
0x2f: {  	[tilespmem:s19], [sflag:$0x3] =	stream.linear.gather [hbm4b:s8+s4], $0x1400, $0x38;
	[tilespmem:$0x1E800] =	vst v63  }
0x30: {  	_ =	swait.ge [sflag:s14], $0x1400  }
0x31: {  	[sflag:s14] =	ssyncset.done $0x0  }
0x32: {  	[sflag:s14] =	ssyncadd.s32 $0xFFFFEC00  }
0x33: {  	[tilespmem:s21], [sflag:$0x1] =	stream.indirect.gather [hbm4b:s1+s20], $0x80, s4, s20, $0xb8;
	[tilespmem:$0x1E800] =	vst v63  }
0x34: {  	_ = 	snop  }
0x35: {  	[tilespmem:s22], [sflag:$0x2] =	stream.indirect.gather [hbm4b:s1+s20], $0x80, s20, s20, $0xb8;
	[tilespmem:$0x1E800] =	vst v63  }
0x36: {  	_ =	swait.ge [sflag:s23], $0x4000  }
0x37: {  	[sflag:s23] =	ssyncset.done $0x0  }
0x38: {  	s29 =	simm.s32 $0x1400;
	[sflag:s23] =	ssyncadd.s32 $0xFFFFC000  }
0x39: {  	[spmem:s2] =	stream.indirect.scatter.add.f32 [tilespmem:s21], [sflag:$0x3], $0x80, s29, s20, $0xb8;
	[tilespmem:$0x1E800] =	vst v63  }
0x3a: {  	_ =	swait.ge [sflag:s14], $0x4000  }
0x3b: {  	[sflag:s14] =	ssyncset.done $0x0  }
0x3c: {  	s29 =	simm.s32 $0x100;
	[sflag:s14] =	ssyncadd.s32 $0xFFFFC000  }
0x3d: {  	[tilespmem:s21], [sflag:$0x1] =	stream.indirect.gather [hbm4b:s1+s20], $0x80, s29, s20, $0xb8;
	[tilespmem:$0x1E800] =	vst v63  }
0x3e: {  	_ =	swait.ge [sflag:s24], $0x4000  }
0x3f: {  	[sflag:s24] =	ssyncset.done $0x0  }
0x40: {  	s29 =	simm.s32 $0x1480;
	[sflag:s24] =	ssyncadd.s32 $0xFFFFC000  }
0x41: {  	[spmem:s2] =	stream.indirect.scatter.add.f32 [tilespmem:s22], [sflag:$0x3], $0x80, s29, s20, $0xb8;
	[tilespmem:$0x1E800] =	vst v63  }
0x42: {  	_ =	swait.ge [sflag:s14], $0x4000  }
0x43: {  	[sflag:s14] =	ssyncset.done $0x0  }
0x44: {  	s30 =	simm.s32 $0x180;
	s29 =	simm.s32 $0x400;
	[sflag:s14] =	ssyncadd.s32 $0xFFFFC000  }
.LBB2_2:
0x45: {  	[tilespmem:s22], [sflag:$0x2] =	stream.indirect.gather [hbm4b:s1+s20], $0x80, s30, s20, $0xb8;
	[tilespmem:$0x1E800] =	vst v63  }
0x46: {  	s30 =	smov.u32 s29  }
0x47: {  	p0 =	sne.s32 s29, $0x4800;
	s29 =	sadd.s32 $0x400, s29;
	_ =	swait.ge [sflag:s23], $0x4000  }
0x48: {  	s30 =	sshra.s32 s30, $0x2;
	[sflag:s23] =	ssyncset.done $0x0  }
0x49: {  	s31 =	sadd.s32 $0x1400, s30;
	[sflag:s23] =	ssyncadd.s32 $0xFFFFC000  }
0x4a: {  	[spmem:s2] =	stream.indirect.scatter.add.f32 [tilespmem:s21], [sflag:$0x3], $0x80, s31, s20, $0xb8;
	[tilespmem:$0x1E800] =	vst v63  }
0x4b: {  	_ =	swait.ge [sflag:s14], $0x4000  }
0x4c: {  	[sflag:s14] =	ssyncset.done $0x0  }
0x4d: {  	s31 =	sadd.s32 $0x100, s30;
	[sflag:s14] =	ssyncadd.s32 $0xFFFFC000  }
0x4e: {  	[tilespmem:s21], [sflag:$0x1] =	stream.indirect.gather [hbm4b:s1+s20], $0x80, s31, s20, $0xb8;
	[tilespmem:$0x1E800] =	vst v63  }
0x4f: {  	_ =	swait.ge [sflag:s24], $0x4000  }
0x50: {  	[sflag:s24] =	ssyncset.done $0x0  }
.Ltmp0:
0x51: {  	s31 =	sadd.s32 $0x1480, s30;
	[sflag:s24] =	ssyncadd.s32 $0xFFFFC000;
	(pc) =	sbr.rel @p0 .LBB2_2-.Ltmp0, $4  }
0x52: {  	[spmem:s2] =	stream.indirect.scatter.add.f32 [tilespmem:s22], [sflag:$0x3], $0x80, s31, s20, $0xb8;
	[tilespmem:$0x1E800] =	vst v63  }
0x53: {  	_ =	swait.ge [sflag:s14], $0x4000  }
0x54: {  	[sflag:s14] =	ssyncset.done $0x0  }
0x55: {  	s30 =	sadd.s32 $0x180, s30;
	[sflag:s14] =	ssyncadd.s32 $0xFFFFC000  }
0x56: {  	[tilespmem:s22], [sflag:$0x2] =	stream.indirect.gather [hbm4b:s1+s20], $0x80, s30, s20, $0xb8;
	[tilespmem:$0x1E800] =	vst v63  }
0x57: {  	_ =	swait.ge [sflag:s23], $0x4000  }
0x58: {  	[sflag:s23] =	ssyncset.done $0x0  }
0x59: {  	[sflag:s23] =	ssyncadd.s32 $0xFFFFC000  }
0x5a: {  	[spmem:s2] =	stream.indirect.scatter.add.f32 [tilespmem:s21], [sflag:$0x3], $0x80, s25, s20, $0xb8;
	[tilespmem:$0x1E800] =	vst v63  }
0x5b: {  	_ =	swait.ge [sflag:s14], $0x4000  }
0x5c: {  	[sflag:s14] =	ssyncset.done $0x0  }
0x5d: {  	[sflag:s14] =	ssyncadd.s32 $0xFFFFC000  }
0x5e: {  	_ =	swait.ge [sflag:s24], $0x4000  }
0x5f: {  	[sflag:s24] =	ssyncset.done $0x0  }
0x60: {  	[sflag:s24] =	ssyncadd.s32 $0xFFFFC000  }
0x61: {  	[spmem:s2] =	stream.indirect.scatter.add.f32 [tilespmem:s22], [sflag:$0x3], $0x80, s26, s20, $0xb8;
	[tilespmem:$0x1E800] =	vst v63  }
0x62: {  	_ =	swait.ge [sflag:s14], $0x4000  }
0x63: {  	[sflag:s14] =	ssyncset.done $0x0  }
0x64: {  	s29 =	simm.s32 $0x0;
	[sflag:s14] =	ssyncadd.s32 $0xFFFFC000  }
0x65: {  	[tilespmem:s29], [sflag:$0x3] =	stream.linear.gather [hbm4b:s9+s29], $0x1400, $0x38;
	[tilespmem:$0x1E800] =	vst v63  }
0x66: {  	_ =	swait.ge [sflag:s14], $0x1400  }
0x67: {  	[sflag:s14] =	ssyncset.done $0x0  }
0x68: {  	[sflag:s14] =	ssyncadd.s32 $0xFFFFEC00  }
0x69: {  	[tilespmem:s19], [sflag:$0x3] =	stream.linear.gather [hbm4b:s10+s29], $0x1400, $0x38;
	[tilespmem:$0x1E800] =	vst v63  }
0x6a: {  	_ =	swait.ge [sflag:s14], $0x1400  }
0x6b: {  	[sflag:s14] =	ssyncset.done $0x0  }
0x6c: {  	[sflag:s14] =	ssyncadd.s32 $0xFFFFEC00  }
0x6d: {  	[tilespmem:s21], [sflag:$0x1] =	stream.indirect.gather [hbm4b:s1+s20], $0x80, s29, s20, $0xb8;
	[tilespmem:$0x1E800] =	vst v63  }
0x6e: {  	_ = 	snop  }
0x6f: {  	[tilespmem:s22], [sflag:$0x2] =	stream.indirect.gather [hbm4b:s1+s20], $0x80, s20, s20, $0xb8;
	[tilespmem:$0x1E800] =	vst v63  }
0x70: {  	_ =	swait.ge [sflag:s23], $0x4000  }
0x71: {  	[sflag:s23] =	ssyncset.done $0x0  }
0x72: {  	s29 =	simm.s32 $0x1400;
	[sflag:s23] =	ssyncadd.s32 $0xFFFFC000  }
0x73: {  	[spmem:s2] =	stream.indirect.scatter.add.f32 [tilespmem:s21], [sflag:$0x3], $0x80, s29, s20, $0xb8;
	[tilespmem:$0x1E800] =	vst v63  }
0x74: {  	_ =	swait.ge [sflag:s14], $0x4000  }
0x75: {  	[sflag:s14] =	ssyncset.done $0x0  }
0x76: {  	s29 =	simm.s32 $0x100;
	[sflag:s14] =	ssyncadd.s32 $0xFFFFC000  }
0x77: {  	[tilespmem:s21], [sflag:$0x1] =	stream.indirect.gather [hbm4b:s1+s20], $0x80, s29, s20, $0xb8;
	[tilespmem:$0x1E800] =	vst v63  }
0x78: {  	_ =	swait.ge [sflag:s24], $0x4000  }
0x79: {  	[sflag:s24] =	ssyncset.done $0x0  }
0x7a: {  	s29 =	simm.s32 $0x1480;
	[sflag:s24] =	ssyncadd.s32 $0xFFFFC000  }
0x7b: {  	[spmem:s2] =	stream.indirect.scatter.add.f32 [tilespmem:s22], [sflag:$0x3], $0x80, s29, s20, $0xb8;
	[tilespmem:$0x1E800] =	vst v63  }
0x7c: {  	_ =	swait.ge [sflag:s14], $0x4000  }
0x7d: {  	[sflag:s14] =	ssyncset.done $0x0  }
0x7e: {  	s30 =	simm.s32 $0x180;
	s29 =	simm.s32 $0x400;
	[sflag:s14] =	ssyncadd.s32 $0xFFFFC000  }
.LBB2_4:
0x7f: {  	[tilespmem:s22], [sflag:$0x2] =	stream.indirect.gather [hbm4b:s1+s20], $0x80, s30, s20, $0xb8;
	[tilespmem:$0x1E800] =	vst v63  }
0x80: {  	s30 =	smov.u32 s29  }
0x81: {  	p0 =	sne.s32 s29, $0x4800;
	s29 =	sadd.s32 $0x400, s29;
	_ =	swait.ge [sflag:s23], $0x4000  }
0x82: {  	s30 =	sshra.s32 s30, $0x2;
	[sflag:s23] =	ssyncset.done $0x0  }
0x83: {  	s31 =	sadd.s32 $0x1400, s30;
	[sflag:s23] =	ssyncadd.s32 $0xFFFFC000  }
0x84: {  	[spmem:s2] =	stream.indirect.scatter.add.f32 [tilespmem:s21], [sflag:$0x3], $0x80, s31, s20, $0xb8;
	[tilespmem:$0x1E800] =	vst v63  }
0x85: {  	_ =	swait.ge [sflag:s14], $0x4000  }
0x86: {  	[sflag:s14] =	ssyncset.done $0x0  }
0x87: {  	s31 =	sadd.s32 $0x100, s30;
	[sflag:s14] =	ssyncadd.s32 $0xFFFFC000  }
0x88: {  	[tilespmem:s21], [sflag:$0x1] =	stream.indirect.gather [hbm4b:s1+s20], $0x80, s31, s20, $0xb8;
	[tilespmem:$0x1E800] =	vst v63  }
0x89: {  	_ =	swait.ge [sflag:s24], $0x4000  }
0x8a: {  	[sflag:s24] =	ssyncset.done $0x0  }
.Ltmp1:
0x8b: {  	s31 =	sadd.s32 $0x1480, s30;
	[sflag:s24] =	ssyncadd.s32 $0xFFFFC000;
	(pc) =	sbr.rel @p0 .LBB2_4-.Ltmp1, $4  }
0x8c: {  	[spmem:s2] =	stream.indirect.scatter.add.f32 [tilespmem:s22], [sflag:$0x3], $0x80, s31, s20, $0xb8;
	[tilespmem:$0x1E800] =	vst v63  }
0x8d: {  	_ =	swait.ge [sflag:s14], $0x4000  }
0x8e: {  	[sflag:s14] =	ssyncset.done $0x0  }
0x8f: {  	s30 =	sadd.s32 $0x180, s30;
	[sflag:s14] =	ssyncadd.s32 $0xFFFFC000  }
0x90: {  	[tilespmem:s22], [sflag:$0x2] =	stream.indirect.gather [hbm4b:s1+s20], $0x80, s30, s20, $0xb8;
	[tilespmem:$0x1E800] =	vst v63  }
0x91: {  	_ =	swait.ge [sflag:s23], $0x4000  }
0x92: {  	[sflag:s23] =	ssyncset.done $0x0  }
0x93: {  	[sflag:s23] =	ssyncadd.s32 $0xFFFFC000  }
0x94: {  	[spmem:s2] =	stream.indirect.scatter.add.f32 [tilespmem:s21], [sflag:$0x3], $0x80, s25, s20, $0xb8;
	[tilespmem:$0x1E800] =	vst v63  }
0x95: {  	_ =	swait.ge [sflag:s14], $0x4000  }
0x96: {  	[sflag:s14] =	ssyncset.done $0x0  }
0x97: {  	[sflag:s14] =	ssyncadd.s32 $0xFFFFC000  }
0x98: {  	_ =	swait.ge [sflag:s24], $0x4000  }
0x99: {  	[sflag:s24] =	ssyncset.done $0x0  }
0x9a: {  	[sflag:s24] =	ssyncadd.s32 $0xFFFFC000  }
0x9b: {  	[spmem:s2] =	stream.indirect.scatter.add.f32 [tilespmem:s22], [sflag:$0x3], $0x80, s26, s20, $0xb8;
	[tilespmem:$0x1E800] =	vst v63  }
0x9c: {  	_ =	swait.ge [sflag:s14], $0x4000  }
0x9d: {  	s28 =	sadd.s32 $0x1, s28;
	[sflag:s14] =	ssyncset.done $0x0  }
0x9e: {  	p0 =	sne.s32 s28, s12;
	[sflag:s14] =	ssyncadd.s32 $0xFFFFC000  }
.Ltmp2:
0x9f: {  	[bflag:$0x0] =	sbarrier.arrive $0xFFFF;
	(pc) =	sbr.rel @p0 .LBB2_1-.Ltmp2, $4  }
0xa0: {  	[hbm:s11], [sflag:s6] =	dma.local [spmem:s13], $0x2800  }
0xa1: {  	_ =	swait.ge [sflag:s14], $0x2800  }
0xa2: {  	[sflag:s14] =	ssyncset.done $0x0  }
0xa3: {  	[sflag:s14] =	ssyncadd.s32 $0xFFFFD800  }
0xa4: {  	_ =	sfence.sel $0x180000  }
0xa5: {  	[bflag:$0x0] =	sbarrier.arrive $0xFFFF  }
0xa6: {  	p0 =	sne.s32 s3, $0x0;
	_ =	strace $0x90000047  }
0xa7: {  	s0 =	sadd.s32 @!p0 $0x100000, s0;
	[bflag:$0x2] =	sbarrier.arrive $0xFFFF  }
0xa8: {  	[sflag:s0] =	ssyncadd.tile.s32 @!p0 $0x1;
	_ =	shalt  }
.Lfunc_end2:
_tile_overlayer_lowered:
.L_overlay_start_2:
0xa9: {  	(tag) =	ssettag $0x2  }
0xaa: {  	s0 =	rddreg [dreg:$0x0];
	s2 =	stileid.u32  }
0xab: {  	s1 =	rddreg [dreg:$0x1];
	p0 =	sne.s32 s2, $0x0  }
0xac: {  	s3 =	rddreg [dreg:$0x2];
	[bflag:$0x3] =	sbarrier.arrive $0xFFFF;
	s2 =	simm.s32 @!p0 $0x1C03  }
0xad: {  	[timem:s3], [sflag:s2] =	dma.local @!p0 [hbm:s0], s1  }
0xae: {  	s0 =	simm.s32 @!p0 $0x3  }
0xaf: {  	_ =	swait.ge @!p0 [sflag:s0], s1  }
0xb0: {  	s1 =	ssub.s32 @!p0 $0x0, s1;
	[sflag:s0] =	ssyncset.done @!p0 $0x0  }
0xb1: {  	[sflag:s0] =	ssyncadd.s32 @!p0 s1  }
0xb2: {  	[bflag:$0x3] =	sbarrier.arrive $0xFFFF  }
0xb3: {  	_ =	shalt  }

</sc_bundles>
